<compile_context>
chip_gen: v7x
topology: tpu7x:2x2x1
jax: 0.10.2.dev20260603
libtpu: 0.0.44.dev20260713+nightly
codegen_flags: <defaults>
</compile_context>

<pallas_src>
import functools

import jax
import jax.numpy as jnp
from jax import lax
from jax.experimental import pallas as pl
from jax.experimental.pallas import tpu as pltpu
from jax.experimental.pallas import tpu_sc as plsc

VOCAB = 50257
SEQ = 2048
EMBED = 768
BATCH = 4

_INFO = plsc.get_sparse_core_info()
NC = _INFO.num_cores
NS = _INFO.num_subcores
L = _INFO.num_lanes
NW = NC * NS
S_PER_W = SEQ // NW
VPR = EMBED // L

CH = 16
NBUF = 6
LA = 3
NCHUNK = BATCH * S_PER_W // CH
CPB = S_PER_W // CH


@functools.partial(
    pl.kernel,
    out_type=jax.ShapeDtypeStruct((BATCH, SEQ, EMBED), jnp.float32),
    mesh=plsc.VectorSubcoreMesh(core_axis_name="c", subcore_axis_name="s"),
    scratch_types=[
        pltpu.VMEM((BATCH, S_PER_W), jnp.int32),
        pltpu.VMEM((S_PER_W, EMBED), jnp.float32),
        pltpu.VMEM((NBUF, CH, EMBED), jnp.float32),
        pltpu.SemaphoreType.DMA((NBUF,)),
        pltpu.SemaphoreType.DMA((NBUF,)),
        pltpu.SemaphoreType.DMA,
    ],
)
def _emb_kernel(
    ids_hbm, table_hbm, pos_hbm, out_hbm, idx_v, pos_v, rows_v, gsem, wsem, psem
):
    wid = lax.axis_index("s") * NC + lax.axis_index("c")
    s_base = wid * S_PER_W

    pltpu.sync_copy(ids_hbm.at[0, pl.ds(s_base, S_PER_W)], idx_v.at[0])

    def start_gather(t, buf):
        b = t // CPB
        h = t - b * CPB
        pltpu.async_copy(
            table_hbm.at[idx_v.at[b, pl.ds(h * CH, CH)]],
            rows_v.at[buf],
            gsem.at[buf],
        )

    def wait_gather(buf):
        pltpu.make_async_copy(
            table_hbm.at[idx_v.at[0, pl.ds(0, CH)]],
            rows_v.at[buf],
            gsem.at[buf],
        ).wait()

    def wait_wb(buf):
        pltpu.make_async_copy(
            rows_v.at[buf],
            out_hbm.at[0, pl.ds(0, CH)],
            wsem.at[buf],
        ).wait()

    for t0 in range(LA):
        start_gather(t0, t0)
    stage = [
        pltpu.async_copy(ids_hbm.at[b, pl.ds(s_base, S_PER_W)], idx_v.at[b], psem)
        for b in range(1, BATCH)
    ]
    stage.append(pltpu.async_copy(pos_hbm.at[pl.ds(s_base, S_PER_W)], pos_v, psem))
    for cp in stage:
        cp.wait()

    def chunk_body(t, _):
        buf = lax.rem(t, NBUF)
        b = t // CPB
        h = t - b * CPB

        nxt = t + LA

        @pl.when(nxt < NCHUNK)
        def _():
            nbuf = lax.rem(nxt, NBUF)

            @pl.when(nxt >= NBUF)
            def _():
                wait_wb(nbuf)

            start_gather(nxt, nbuf)

        wait_gather(buf)

        @plsc.parallel_loop(0, CH)
        def _add_row(i):
            for j in range(VPR):
                plsc.addupdate(
                    rows_v.at[buf, i, pl.ds(j * L, L)],
                    pos_v[h * CH + i, pl.ds(j * L, L)],
                )

        pltpu.async_copy(
            rows_v.at[buf],
            out_hbm.at[b, pl.ds(s_base + h * CH, CH)],
            wsem.at[buf],
        )
        return 0

    lax.fori_loop(0, NCHUNK, chunk_body, 0)

    for t in range(NCHUNK - NBUF, NCHUNK):
        wait_wb(t % NBUF)


def kernel(input_ids, token_embeddings, position_embeddings):
    return _emb_kernel(input_ids, token_embeddings, position_embeddings)

# --- scband reference (transcript-rebuilt; emitter-appended) ---
"""Pipeline reference for scband-backpack-gpt2-embeddings-65257733096112 (READ-ONLY COPY).

The authoritative reference and input builder live on the scoring server;
editing this copy changes nothing except your own understanding.
"""

import jax, jax.numpy as jnp
import numpy as np

VOCAB = 50257
SEQ = 2048
EMBED = 768
BATCH = 4
INIT_RANGE = 0.02


def setup_inputs(seed: int = 0) -> dict:
    key = jax.random.key(seed)
    k_ids, k_wte, k_wpe = jax.random.split(key, 3)
    input_ids = jax.random.randint(k_ids, (BATCH, SEQ), 0, VOCAB, dtype=jnp.int64 if jax.config.jax_enable_x64 else jnp.int32)
    token_embeddings = jax.random.normal(k_wte, (VOCAB, EMBED), dtype=jnp.float32) * INIT_RANGE
    position_embeddings = jax.random.normal(k_wpe, (SEQ, EMBED), dtype=jnp.float32) * (INIT_RANGE / 2)
    return {
        "input_ids": input_ids,
        "token_embeddings": token_embeddings,
        "position_embeddings": position_embeddings,
    }


def reference(input_ids, token_embeddings, position_embeddings):
    # embed(): gather token embeddings by id (vocab-axis take), add position
    # embeddings (broadcast over batch), dropout is identity at inference
    # (pdrop=0.0 / eval mode).
    input_embeds = jnp.take(token_embeddings, input_ids, axis=0)  # [B, S, E]
    x = input_embeds + position_embeddings[None, :, :]            # [B, S, E]
    return x

if __name__ == "__main__":
    import jax
    _d = setup_inputs()
    print(jax.jit(kernel)(*tuple(_d.values())))

</pallas_src>

<mosaic_0001>
#map = affine_map<(d0, d1) -> (0, 0)>
#map1 = affine_map<(d0, d1) -> (0, 0, 0)>
module attributes {stable_mosaic.version = 14 : i64} {
  func.func @_emb_kernel(%arg0: i32, %arg1: i32, %arg2: memref<4x2048xi32, #tpu.memory_space<hbm>>, %arg3: memref<50257x768xf32, #tpu.memory_space<hbm>>, %arg4: memref<2048x768xf32, #tpu.memory_space<hbm>>, %arg5: memref<4x2048x768xf32, #tpu.memory_space<hbm>>, %arg6: memref<4x64xi32, #tpu.memory_space<vmem>>, %arg7: memref<64x768xf32, #tpu.memory_space<vmem>>, %arg8: memref<6x16x768xf32, #tpu.memory_space<vmem>>, %arg9: memref<6x!tpu.dma_semaphore, #tpu.memory_space<semaphore_mem>>, %arg10: memref<6x!tpu.dma_semaphore, #tpu.memory_space<semaphore_mem>>, %arg11: memref<!tpu.dma_semaphore, #tpu.memory_space<semaphore_mem>>) attributes {dimension_semantics = [#tpu.dimension_semantics<core_parallel>, #tpu.dimension_semantics<subcore_parallel>], iteration_bounds = array<i64: 2, 16>, scalar_prefetch = 0 : i64, scratch_operands = 6 : i64, tpu.core_type = #tpu.core_type<sc_vector_subcore>, window_params = [{transform_indices = #map}, {transform_indices = #map}, {transform_indices = #map}, {transform_indices = #map1}]} {
    %mul3A = arith.constant 2 : i32
    %mul3A_0 = arith.muli %arg1, %mul3A : i32
    %add3A = arith.addi %mul3A_0, %arg0 : i32
    %mul3A_1 = arith.constant 64 : i32
    %mul3A_2 = arith.muli %add3A, %mul3A_1 : i32
    %run_scoped3A = arith.constant 0 : i32
    %run_scoped3A_3 = arith.constant 0 : i32
    "tpu.region"() ({
      %run_scoped3A_259 = tpu.sem_alloc : memref<!tpu.dma_semaphore, #tpu.memory_space<semaphore_mem>>
      %dma_start3A_260 = arith.constant 0 : i32
      %dma_start3A_261 = tpu.memref_slice %arg6[%run_scoped3A_3, %dma_start3A_260] : memref<4x64xi32, #tpu.memory_space<vmem>> -> memref<1x64xi32, #tpu.memory_space<vmem>>
      %dma_start3A_262 = tpu.memref_squeeze %dma_start3A_261 : memref<1x64xi32, #tpu.memory_space<vmem>> -> memref<64xi32, #tpu.memory_space<vmem>>
      %dma_start3A_263 = tpu.memref_slice %arg2[%run_scoped3A, %mul3A_2] : memref<4x2048xi32, #tpu.memory_space<hbm>> -> memref<1x64xi32, #tpu.memory_space<hbm>>
      %dma_start3A_264 = tpu.memref_squeeze %dma_start3A_263 : memref<1x64xi32, #tpu.memory_space<hbm>> -> memref<64xi32, #tpu.memory_space<hbm>>
      %dma_start3A_265 = arith.constant 0 : i32
      %dma_start3A_266 = tpu.memref_slice %arg6[%run_scoped3A_3, %dma_start3A_265] : memref<4x64xi32, #tpu.memory_space<vmem>> -> memref<1x64xi32, #tpu.memory_space<vmem>>
      %dma_start3A_267 = tpu.memref_squeeze %dma_start3A_266 : memref<1x64xi32, #tpu.memory_space<vmem>> -> memref<64xi32, #tpu.memory_space<vmem>>
      %dma_start3A_268 = tpu.memref_slice %arg2[%run_scoped3A, %mul3A_2] : memref<4x2048xi32, #tpu.memory_space<hbm>> -> memref<1x64xi32, #tpu.memory_space<hbm>>
      %dma_start3A_269 = tpu.memref_squeeze %dma_start3A_268 : memref<1x64xi32, #tpu.memory_space<hbm>> -> memref<64xi32, #tpu.memory_space<hbm>>
      tpu.enqueue_dma source(%dma_start3A_269 : memref<64xi32, #tpu.memory_space<hbm>>) target(%dma_start3A_267 : memref<64xi32, #tpu.memory_space<vmem>>) target_semaphore(%run_scoped3A_259 : memref<!tpu.dma_semaphore, #tpu.memory_space<semaphore_mem>>)
      %dma_wait3A_270 = arith.constant 0 : i32
      %dma_wait3A_271 = tpu.memref_slice %arg6[%run_scoped3A_3, %dma_wait3A_270] : memref<4x64xi32, #tpu.memory_space<vmem>> -> memref<1x64xi32, #tpu.memory_space<vmem>>
      %dma_wait3A_272 = tpu.memref_squeeze %dma_wait3A_271 : memref<1x64xi32, #tpu.memory_space<vmem>> -> memref<64xi32, #tpu.memory_space<vmem>>
      %dma_wait3A_273 = tpu.memref_slice %arg2[%run_scoped3A, %mul3A_2] : memref<4x2048xi32, #tpu.memory_space<hbm>> -> memref<1x64xi32, #tpu.memory_space<hbm>>
      %dma_wait3A_274 = tpu.memref_squeeze %dma_wait3A_273 : memref<1x64xi32, #tpu.memory_space<hbm>> -> memref<64xi32, #tpu.memory_space<hbm>>
      %dma_wait3A_275 = arith.constant 0 : i32
      %dma_wait3A_276 = tpu.memref_slice %arg6[%run_scoped3A_3, %dma_wait3A_275] : memref<4x64xi32, #tpu.memory_space<vmem>> -> memref<1x64xi32, #tpu.memory_space<vmem>>
      %dma_wait3A_277 = tpu.memref_squeeze %dma_wait3A_276 : memref<1x64xi32, #tpu.memory_space<vmem>> -> memref<64xi32, #tpu.memory_space<vmem>>
      %dma_wait3A_278 = tpu.memref_slice %arg2[%run_scoped3A, %mul3A_2] : memref<4x2048xi32, #tpu.memory_space<hbm>> -> memref<1x64xi32, #tpu.memory_space<hbm>>
      %dma_wait3A_279 = tpu.memref_squeeze %dma_wait3A_278 : memref<1x64xi32, #tpu.memory_space<hbm>> -> memref<64xi32, #tpu.memory_space<hbm>>
      tpu.wait_dma2 semaphore(%run_scoped3A_259 : memref<!tpu.dma_semaphore, #tpu.memory_space<semaphore_mem>>) src(%dma_wait3A_279 : memref<64xi32, #tpu.memory_space<hbm>>) dst(%dma_wait3A_277 : memref<64xi32, #tpu.memory_space<vmem>>)
      tpu.yield
    }) : () -> ()
    %dma_start3A = arith.constant 0 : i32
    %dma_start3A_4 = arith.constant 0 : i32
    %dma_start3A_5 = arith.constant 0 : i32
    %dma_start3A_6 = arith.constant 0 : i32
    %dma_start3A_7 = arith.constant 0 : i32
    %dma_start3A_8 = tpu.memref_slice %arg8[%dma_start3A_4, %dma_start3A_6, %dma_start3A_7] : memref<6x16x768xf32, #tpu.memory_space<vmem>> -> memref<1x16x768xf32, #tpu.memory_space<vmem>>
    %dma_start3A_9 = tpu.memref_squeeze %dma_start3A_8 : memref<1x16x768xf32, #tpu.memory_space<vmem>> -> memref<16x768xf32, #tpu.memory_space<vmem>>
    %dma_start3A_10 = arith.constant 0 : i32
    %dma_start3A_11 = tpu.memref_slice %arg6[%dma_start3A, %dma_start3A_10] : memref<4x64xi32, #tpu.memory_space<vmem>> -> memref<1x16xi32, #tpu.memory_space<vmem>>
    %dma_start3A_12 = tpu.memref_squeeze %dma_start3A_11 : memref<1x16xi32, #tpu.memory_space<vmem>> -> memref<16xi32, #tpu.memory_space<vmem>>
    %dma_start3A_13 = arith.constant 0 : i32
    %dma_start3A_14 = arith.constant 0 : i32
    %dma_start3A_15 = tpu.memref_slice %arg3[%dma_start3A_13, %dma_start3A_14] : memref<50257x768xf32, #tpu.memory_space<hbm>> -> memref<50257x768xf32, #tpu.memory_space<hbm>>
    %dma_start3A_16 = tpu.memref_slice %arg9[%dma_start3A_5] : memref<6x!tpu.dma_semaphore, #tpu.memory_space<semaphore_mem>> -> memref<1x!tpu.dma_semaphore, #tpu.memory_space<semaphore_mem>>
    %dma_start3A_17 = tpu.memref_squeeze %dma_start3A_16 : memref<1x!tpu.dma_semaphore, #tpu.memory_space<semaphore_mem>> -> memref<!tpu.dma_semaphore, #tpu.memory_space<semaphore_mem>>
    tpu.enqueue_indirect_dma source(%dma_start3A_15 : memref<50257x768xf32, #tpu.memory_space<hbm>>) target(%dma_start3A_9 : memref<16x768xf32, #tpu.memory_space<vmem>>) offsets(%dma_start3A_12 : memref<16xi32, #tpu.memory_space<vmem>>) semaphore(%dma_start3A_17 : memref<!tpu.dma_semaphore, #tpu.memory_space<semaphore_mem>>)
    %dma_start3A_18 = arith.constant 0 : i32
    %dma_start3A_19 = arith.constant 1 : i32
    %dma_start3A_20 = arith.constant 1 : i32
    %dma_start3A_21 = arith.constant 0 : i32
    %dma_start3A_22 = arith.constant 0 : i32
    %dma_start3A_23 = tpu.memref_slice %arg8[%dma_start3A_19, %dma_start3A_21, %dma_start3A_22] : memref<6x16x768xf32, #tpu.memory_space<vmem>> -> memref<1x16x768xf32, #tpu.memory_space<vmem>>
    %dma_start3A_24 = tpu.memref_squeeze %dma_start3A_23 : memref<1x16x768xf32, #tpu.memory_space<vmem>> -> memref<16x768xf32, #tpu.memory_space<vmem>>
    %dma_start3A_25 = arith.constant 16 : i32
    %dma_start3A_26 = tpu.memref_slice %arg6[%dma_start3A_18, %dma_start3A_25] : memref<4x64xi32, #tpu.memory_space<vmem>> -> memref<1x16xi32, #tpu.memory_space<vmem>>
    %dma_start3A_27 = tpu.memref_squeeze %dma_start3A_26 : memref<1x16xi32, #tpu.memory_space<vmem>> -> memref<16xi32, #tpu.memory_space<vmem>>
    %dma_start3A_28 = arith.constant 0 : i32
    %dma_start3A_29 = arith.constant 0 : i32
    %dma_start3A_30 = tpu.memref_slice %arg3[%dma_start3A_28, %dma_start3A_29] : memref<50257x768xf32, #tpu.memory_space<hbm>> -> memref<50257x768xf32, #tpu.memory_space<hbm>>
    %dma_start3A_31 = tpu.memref_slice %arg9[%dma_start3A_20] : memref<6x!tpu.dma_semaphore, #tpu.memory_space<semaphore_mem>> -> memref<1x!tpu.dma_semaphore, #tpu.memory_space<semaphore_mem>>
    %dma_start3A_32 = tpu.memref_squeeze %dma_start3A_31 : memref<1x!tpu.dma_semaphore, #tpu.memory_space<semaphore_mem>> -> memref<!tpu.dma_semaphore, #tpu.memory_space<semaphore_mem>>
    tpu.enqueue_indirect_dma source(%dma_start3A_30 : memref<50257x768xf32, #tpu.memory_space<hbm>>) target(%dma_start3A_24 : memref<16x768xf32, #tpu.memory_space<vmem>>) offsets(%dma_start3A_27 : memref<16xi32, #tpu.memory_space<vmem>>) semaphore(%dma_start3A_32 : memref<!tpu.dma_semaphore, #tpu.memory_space<semaphore_mem>>)
    %dma_start3A_33 = arith.constant 0 : i32
    %dma_start3A_34 = arith.constant 2 : i32
    %dma_start3A_35 = arith.constant 2 : i32
    %dma_start3A_36 = arith.constant 0 : i32
    %dma_start3A_37 = arith.constant 0 : i32
    %dma_start3A_38 = tpu.memref_slice %arg8[%dma_start3A_34, %dma_start3A_36, %dma_start3A_37] : memref<6x16x768xf32, #tpu.memory_space<vmem>> -> memref<1x16x768xf32, #tpu.memory_space<vmem>>
    %dma_start3A_39 = tpu.memref_squeeze %dma_start3A_38 : memref<1x16x768xf32, #tpu.memory_space<vmem>> -> memref<16x768xf32, #tpu.memory_space<vmem>>
    %dma_start3A_40 = arith.constant 32 : i32
    %dma_start3A_41 = tpu.memref_slice %arg6[%dma_start3A_33, %dma_start3A_40] : memref<4x64xi32, #tpu.memory_space<vmem>> -> memref<1x16xi32, #tpu.memory_space<vmem>>
    %dma_start3A_42 = tpu.memref_squeeze %dma_start3A_41 : memref<1x16xi32, #tpu.memory_space<vmem>> -> memref<16xi32, #tpu.memory_space<vmem>>
    %dma_start3A_43 = arith.constant 0 : i32
    %dma_start3A_44 = arith.constant 0 : i32
    %dma_start3A_45 = tpu.memref_slice %arg3[%dma_start3A_43, %dma_start3A_44] : memref<50257x768xf32, #tpu.memory_space<hbm>> -> memref<50257x768xf32, #tpu.memory_space<hbm>>
    %dma_start3A_46 = tpu.memref_slice %arg9[%dma_start3A_35] : memref<6x!tpu.dma_semaphore, #tpu.memory_space<semaphore_mem>> -> memref<1x!tpu.dma_semaphore, #tpu.memory_space<semaphore_mem>>
    %dma_start3A_47 = tpu.memref_squeeze %dma_start3A_46 : memref<1x!tpu.dma_semaphore, #tpu.memory_space<semaphore_mem>> -> memref<!tpu.dma_semaphore, #tpu.memory_space<semaphore_mem>>
    tpu.enqueue_indirect_dma source(%dma_start3A_45 : memref<50257x768xf32, #tpu.memory_space<hbm>>) target(%dma_start3A_39 : memref<16x768xf32, #tpu.memory_space<vmem>>) offsets(%dma_start3A_42 : memref<16xi32, #tpu.memory_space<vmem>>) semaphore(%dma_start3A_47 : memref<!tpu.dma_semaphore, #tpu.memory_space<semaphore_mem>>)
    %dma_start3A_48 = arith.constant 1 : i32
    %dma_start3A_49 = arith.constant 1 : i32
    %dma_start3A_50 = arith.constant 0 : i32
    %dma_start3A_51 = tpu.memref_slice %arg6[%dma_start3A_49, %dma_start3A_50] : memref<4x64xi32, #tpu.memory_space<vmem>> -> memref<1x64xi32, #tpu.memory_space<vmem>>
    %dma_start3A_52 = tpu.memref_squeeze %dma_start3A_51 : memref<1x64xi32, #tpu.memory_space<vmem>> -> memref<64xi32, #tpu.memory_space<vmem>>
    %dma_start3A_53 = tpu.memref_slice %arg2[%dma_start3A_48, %mul3A_2] : memref<4x2048xi32, #tpu.memory_space<hbm>> -> memref<1x64xi32, #tpu.memory_space<hbm>>
    %dma_start3A_54 = tpu.memref_squeeze %dma_start3A_53 : memref<1x64xi32, #tpu.memory_space<hbm>> -> memref<64xi32, #tpu.memory_space<hbm>>
    %dma_start3A_55 = arith.constant 0 : i32
    %dma_start3A_56 = tpu.memref_slice %arg6[%dma_start3A_49, %dma_start3A_55] : memref<4x64xi32, #tpu.memory_space<vmem>> -> memref<1x64xi32, #tpu.memory_space<vmem>>
    %dma_start3A_57 = tpu.memref_squeeze %dma_start3A_56 : memref<1x64xi32, #tpu.memory_space<vmem>> -> memref<64xi32, #tpu.memory_space<vmem>>
    %dma_start3A_58 = tpu.memref_slice %arg2[%dma_start3A_48, %mul3A_2] : memref<4x2048xi32, #tpu.memory_space<hbm>> -> memref<1x64xi32, #tpu.memory_space<hbm>>
    %dma_start3A_59 = tpu.memref_squeeze %dma_start3A_58 : memref<1x64xi32, #tpu.memory_space<hbm>> -> memref<64xi32, #tpu.memory_space<hbm>>
    tpu.enqueue_dma source(%dma_start3A_59 : memref<64xi32, #tpu.memory_space<hbm>>) target(%dma_start3A_57 : memref<64xi32, #tpu.memory_space<vmem>>) target_semaphore(%arg11 : memref<!tpu.dma_semaphore, #tpu.memory_space<semaphore_mem>>)
    %dma_start3A_60 = arith.constant 2 : i32
    %dma_start3A_61 = arith.constant 2 : i32
    %dma_start3A_62 = arith.constant 0 : i32
    %dma_start3A_63 = tpu.memref_slice %arg6[%dma_start3A_61, %dma_start3A_62] : memref<4x64xi32, #tpu.memory_space<vmem>> -> memref<1x64xi32, #tpu.memory_space<vmem>>
    %dma_start3A_64 = tpu.memref_squeeze %dma_start3A_63 : memref<1x64xi32, #tpu.memory_space<vmem>> -> memref<64xi32, #tpu.memory_space<vmem>>
    %dma_start3A_65 = tpu.memref_slice %arg2[%dma_start3A_60, %mul3A_2] : memref<4x2048xi32, #tpu.memory_space<hbm>> -> memref<1x64xi32, #tpu.memory_space<hbm>>
    %dma_start3A_66 = tpu.memref_squeeze %dma_start3A_65 : memref<1x64xi32, #tpu.memory_space<hbm>> -> memref<64xi32, #tpu.memory_space<hbm>>
    %dma_start3A_67 = arith.constant 0 : i32
    %dma_start3A_68 = tpu.memref_slice %arg6[%dma_start3A_61, %dma_start3A_67] : memref<4x64xi32, #tpu.memory_space<vmem>> -> memref<1x64xi32, #tpu.memory_space<vmem>>
    %dma_start3A_69 = tpu.memref_squeeze %dma_start3A_68 : memref<1x64xi32, #tpu.memory_space<vmem>> -> memref<64xi32, #tpu.memory_space<vmem>>
    %dma_start3A_70 = tpu.memref_slice %arg2[%dma_start3A_60, %mul3A_2] : memref<4x2048xi32, #tpu.memory_space<hbm>> -> memref<1x64xi32, #tpu.memory_space<hbm>>
    %dma_start3A_71 = tpu.memref_squeeze %dma_start3A_70 : memref<1x64xi32, #tpu.memory_space<hbm>> -> memref<64xi32, #tpu.memory_space<hbm>>
    tpu.enqueue_dma source(%dma_start3A_71 : memref<64xi32, #tpu.memory_space<hbm>>) target(%dma_start3A_69 : memref<64xi32, #tpu.memory_space<vmem>>) target_semaphore(%arg11 : memref<!tpu.dma_semaphore, #tpu.memory_space<semaphore_mem>>)
    %dma_start3A_72 = arith.constant 3 : i32
    %dma_start3A_73 = arith.constant 3 : i32
    %dma_start3A_74 = arith.constant 0 : i32
    %dma_start3A_75 = tpu.memref_slice %arg6[%dma_start3A_73, %dma_start3A_74] : memref<4x64xi32, #tpu.memory_space<vmem>> -> memref<1x64xi32, #tpu.memory_space<vmem>>
    %dma_start3A_76 = tpu.memref_squeeze %dma_start3A_75 : memref<1x64xi32, #tpu.memory_space<vmem>> -> memref<64xi32, #tpu.memory_space<vmem>>
    %dma_start3A_77 = tpu.memref_slice %arg2[%dma_start3A_72, %mul3A_2] : memref<4x2048xi32, #tpu.memory_space<hbm>> -> memref<1x64xi32, #tpu.memory_space<hbm>>
    %dma_start3A_78 = tpu.memref_squeeze %dma_start3A_77 : memref<1x64xi32, #tpu.memory_space<hbm>> -> memref<64xi32, #tpu.memory_space<hbm>>
    %dma_start3A_79 = arith.constant 0 : i32
    %dma_start3A_80 = tpu.memref_slice %arg6[%dma_start3A_73, %dma_start3A_79] : memref<4x64xi32, #tpu.memory_space<vmem>> -> memref<1x64xi32, #tpu.memory_space<vmem>>
    %dma_start3A_81 = tpu.memref_squeeze %dma_start3A_80 : memref<1x64xi32, #tpu.memory_space<vmem>> -> memref<64xi32, #tpu.memory_space<vmem>>
    %dma_start3A_82 = tpu.memref_slice %arg2[%dma_start3A_72, %mul3A_2] : memref<4x2048xi32, #tpu.memory_space<hbm>> -> memref<1x64xi32, #tpu.memory_space<hbm>>
    %dma_start3A_83 = tpu.memref_squeeze %dma_start3A_82 : memref<1x64xi32, #tpu.memory_space<hbm>> -> memref<64xi32, #tpu.memory_space<hbm>>
    tpu.enqueue_dma source(%dma_start3A_83 : memref<64xi32, #tpu.memory_space<hbm>>) target(%dma_start3A_81 : memref<64xi32, #tpu.memory_space<vmem>>) target_semaphore(%arg11 : memref<!tpu.dma_semaphore, #tpu.memory_space<semaphore_mem>>)
    %dma_start3A_84 = arith.constant 0 : i32
    %dma_start3A_85 = tpu.memref_slice %arg4[%mul3A_2, %dma_start3A_84] : memref<2048x768xf32, #tpu.memory_space<hbm>> -> memref<64x768xf32, #tpu.memory_space<hbm>>
    %dma_start3A_86 = arith.constant 0 : i32
    %dma_start3A_87 = tpu.memref_slice %arg4[%mul3A_2, %dma_start3A_86] : memref<2048x768xf32, #tpu.memory_space<hbm>> -> memref<64x768xf32, #tpu.memory_space<hbm>>
    tpu.enqueue_dma source(%dma_start3A_87 : memref<64x768xf32, #tpu.memory_space<hbm>>) target(%arg7 : memref<64x768xf32, #tpu.memory_space<vmem>>) target_semaphore(%arg11 : memref<!tpu.dma_semaphore, #tpu.memory_space<semaphore_mem>>)
    %dma_wait3A = arith.constant 1 : i32
    %dma_wait3A_88 = arith.constant 1 : i32
    %dma_wait3A_89 = arith.constant 0 : i32
    %dma_wait3A_90 = tpu.memref_slice %arg6[%dma_wait3A_88, %dma_wait3A_89] : memref<4x64xi32, #tpu.memory_space<vmem>> -> memref<1x64xi32, #tpu.memory_space<vmem>>
    %dma_wait3A_91 = tpu.memref_squeeze %dma_wait3A_90 : memref<1x64xi32, #tpu.memory_space<vmem>> -> memref<64xi32, #tpu.memory_space<vmem>>
    %dma_wait3A_92 = tpu.memref_slice %arg2[%dma_wait3A, %mul3A_2] : memref<4x2048xi32, #tpu.memory_space<hbm>> -> memref<1x64xi32, #tpu.memory_space<hbm>>
    %dma_wait3A_93 = tpu.memref_squeeze %dma_wait3A_92 : memref<1x64xi32, #tpu.memory_space<hbm>> -> memref<64xi32, #tpu.memory_space<hbm>>
    %dma_wait3A_94 = arith.constant 0 : i32
    %dma_wait3A_95 = tpu.memref_slice %arg6[%dma_wait3A_88, %dma_wait3A_94] : memref<4x64xi32, #tpu.memory_space<vmem>> -> memref<1x64xi32, #tpu.memory_space<vmem>>
    %dma_wait3A_96 = tpu.memref_squeeze %dma_wait3A_95 : memref<1x64xi32, #tpu.memory_space<vmem>> -> memref<64xi32, #tpu.memory_space<vmem>>
    %dma_wait3A_97 = tpu.memref_slice %arg2[%dma_wait3A, %mul3A_2] : memref<4x2048xi32, #tpu.memory_space<hbm>> -> memref<1x64xi32, #tpu.memory_space<hbm>>
    %dma_wait3A_98 = tpu.memref_squeeze %dma_wait3A_97 : memref<1x64xi32, #tpu.memory_space<hbm>> -> memref<64xi32, #tpu.memory_space<hbm>>
    tpu.wait_dma2 semaphore(%arg11 : memref<!tpu.dma_semaphore, #tpu.memory_space<semaphore_mem>>) src(%dma_wait3A_98 : memref<64xi32, #tpu.memory_space<hbm>>) dst(%dma_wait3A_96 : memref<64xi32, #tpu.memory_space<vmem>>)
    %dma_wait3A_99 = arith.constant 2 : i32
    %dma_wait3A_100 = arith.constant 2 : i32
    %dma_wait3A_101 = arith.constant 0 : i32
    %dma_wait3A_102 = tpu.memref_slice %arg6[%dma_wait3A_100, %dma_wait3A_101] : memref<4x64xi32, #tpu.memory_space<vmem>> -> memref<1x64xi32, #tpu.memory_space<vmem>>
    %dma_wait3A_103 = tpu.memref_squeeze %dma_wait3A_102 : memref<1x64xi32, #tpu.memory_space<vmem>> -> memref<64xi32, #tpu.memory_space<vmem>>
    %dma_wait3A_104 = tpu.memref_slice %arg2[%dma_wait3A_99, %mul3A_2] : memref<4x2048xi32, #tpu.memory_space<hbm>> -> memref<1x64xi32, #tpu.memory_space<hbm>>
    %dma_wait3A_105 = tpu.memref_squeeze %dma_wait3A_104 : memref<1x64xi32, #tpu.memory_space<hbm>> -> memref<64xi32, #tpu.memory_space<hbm>>
    %dma_wait3A_106 = arith.constant 0 : i32
    %dma_wait3A_107 = tpu.memref_slice %arg6[%dma_wait3A_100, %dma_wait3A_106] : memref<4x64xi32, #tpu.memory_space<vmem>> -> memref<1x64xi32, #tpu.memory_space<vmem>>
    %dma_wait3A_108 = tpu.memref_squeeze %dma_wait3A_107 : memref<1x64xi32, #tpu.memory_space<vmem>> -> memref<64xi32, #tpu.memory_space<vmem>>
    %dma_wait3A_109 = tpu.memref_slice %arg2[%dma_wait3A_99, %mul3A_2] : memref<4x2048xi32, #tpu.memory_space<hbm>> -> memref<1x64xi32, #tpu.memory_space<hbm>>
    %dma_wait3A_110 = tpu.memref_squeeze %dma_wait3A_109 : memref<1x64xi32, #tpu.memory_space<hbm>> -> memref<64xi32, #tpu.memory_space<hbm>>
    tpu.wait_dma2 semaphore(%arg11 : memref<!tpu.dma_semaphore, #tpu.memory_space<semaphore_mem>>) src(%dma_wait3A_110 : memref<64xi32, #tpu.memory_space<hbm>>) dst(%dma_wait3A_108 : memref<64xi32, #tpu.memory_space<vmem>>)
    %dma_wait3A_111 = arith.constant 3 : i32
    %dma_wait3A_112 = arith.constant 3 : i32
    %dma_wait3A_113 = arith.constant 0 : i32
    %dma_wait3A_114 = tpu.memref_slice %arg6[%dma_wait3A_112, %dma_wait3A_113] : memref<4x64xi32, #tpu.memory_space<vmem>> -> memref<1x64xi32, #tpu.memory_space<vmem>>
    %dma_wait3A_115 = tpu.memref_squeeze %dma_wait3A_114 : memref<1x64xi32, #tpu.memory_space<vmem>> -> memref<64xi32, #tpu.memory_space<vmem>>
    %dma_wait3A_116 = tpu.memref_slice %arg2[%dma_wait3A_111, %mul3A_2] : memref<4x2048xi32, #tpu.memory_space<hbm>> -> memref<1x64xi32, #tpu.memory_space<hbm>>
    %dma_wait3A_117 = tpu.memref_squeeze %dma_wait3A_116 : memref<1x64xi32, #tpu.memory_space<hbm>> -> memref<64xi32, #tpu.memory_space<hbm>>
    %dma_wait3A_118 = arith.constant 0 : i32
    %dma_wait3A_119 = tpu.memref_slice %arg6[%dma_wait3A_112, %dma_wait3A_118] : memref<4x64xi32, #tpu.memory_space<vmem>> -> memref<1x64xi32, #tpu.memory_space<vmem>>
    %dma_wait3A_120 = tpu.memref_squeeze %dma_wait3A_119 : memref<1x64xi32, #tpu.memory_space<vmem>> -> memref<64xi32, #tpu.memory_space<vmem>>
    %dma_wait3A_121 = tpu.memref_slice %arg2[%dma_wait3A_111, %mul3A_2] : memref<4x2048xi32, #tpu.memory_space<hbm>> -> memref<1x64xi32, #tpu.memory_space<hbm>>
    %dma_wait3A_122 = tpu.memref_squeeze %dma_wait3A_121 : memref<1x64xi32, #tpu.memory_space<hbm>> -> memref<64xi32, #tpu.memory_space<hbm>>
    tpu.wait_dma2 semaphore(%arg11 : memref<!tpu.dma_semaphore, #tpu.memory_space<semaphore_mem>>) src(%dma_wait3A_122 : memref<64xi32, #tpu.memory_space<hbm>>) dst(%dma_wait3A_120 : memref<64xi32, #tpu.memory_space<vmem>>)
    %dma_wait3A_123 = arith.constant 0 : i32
    %dma_wait3A_124 = tpu.memref_slice %arg4[%mul3A_2, %dma_wait3A_123] : memref<2048x768xf32, #tpu.memory_space<hbm>> -> memref<64x768xf32, #tpu.memory_space<hbm>>
    %dma_wait3A_125 = arith.constant 0 : i32
    %dma_wait3A_126 = tpu.memref_slice %arg4[%mul3A_2, %dma_wait3A_125] : memref<2048x768xf32, #tpu.memory_space<hbm>> -> memref<64x768xf32, #tpu.memory_space<hbm>>
    tpu.wait_dma2 semaphore(%arg11 : memref<!tpu.dma_semaphore, #tpu.memory_space<semaphore_mem>>) src(%dma_wait3A_126 : memref<64x768xf32, #tpu.memory_space<hbm>>) dst(%arg7 : memref<64x768xf32, #tpu.memory_space<vmem>>)
    %scan3A = arith.constant 0 : i32
    %scan3A_127 = arith.constant 0 : i32
    %scan3A_128 = arith.constant 16 : i32
    %scan3A_129 = arith.addi %scan3A_127, %scan3A_128 : i32
    %scan3A_130 = arith.constant 1 : i32
    %scan3A_131 = scf.for %scan3A_259 = %scan3A_127 to %scan3A_129 step %scan3A_130 iter_args(%scan3A_260 = %scan3A) -> (i32)  : i32 {
      %rem3A = arith.constant 6 : i32
      %rem3A_261 = arith.remsi %scan3A_259, %rem3A : i32
      %jit3A = arith.constant 4 : i32
      %div3A = arith.divsi %scan3A_259, %jit3A : i32
      %sign3A = arith.constant 0 : i32
      %sign3A_262 = arith.cmpi sgt, %scan3A_259, %sign3A : i32
      %sign3A_263 = arith.extui %sign3A_262 : i1 to i32
      %sign3A_264 = arith.constant 0 : i32
      %sign3A_265 = arith.cmpi slt, %scan3A_259, %sign3A_264 : i32
      %sign3A_266 = arith.extui %sign3A_265 : i1 to i32
      %sign3A_267 = arith.subi %sign3A_263, %sign3A_266 : i32
      %sign3A_268 = arith.constant 0 : i32
      %sign3A_269 = arith.cmpi sgt, %jit3A, %sign3A_268 : i32
      %sign3A_270 = arith.extui %sign3A_269 : i1 to i32
      %sign3A_271 = arith.constant 0 : i32
      %sign3A_272 = arith.cmpi slt, %jit3A, %sign3A_271 : i32
      %sign3A_273 = arith.extui %sign3A_272 : i1 to i32
      %sign3A_274 = arith.subi %sign3A_270, %sign3A_273 : i32
      %ne3A = arith.cmpi ne, %sign3A_267, %sign3A_274 : i32
      %rem3A_275 = arith.remsi %scan3A_259, %jit3A : i32
      %ne3A_276 = arith.constant 0 : i32
      %ne3A_277 = arith.cmpi ne, %rem3A_275, %ne3A_276 : i32
      %and3A = arith.andi %ne3A, %ne3A_277 : i1
      %sub3A = arith.constant 1 : i32
      %sub3A_278 = arith.subi %div3A, %sub3A : i32
      %select_n3A = arith.select %and3A, %sub3A_278, %div3A : i32
      %mul3A_279 = arith.constant 4 : i32
      %mul3A_280 = arith.muli %select_n3A, %mul3A_279 : i32
      %sub3A_281 = arith.subi %scan3A_259, %mul3A_280 : i32
      %add3A_282 = arith.constant 3 : i32
      %add3A_283 = arith.addi %scan3A_259, %add3A_282 : i32
      %lt3A = arith.constant 16 : i32
      %lt3A_284 = arith.cmpi slt, %add3A_283, %lt3A : i32
      %convert_element_type3A = arith.extui %lt3A_284 : i1 to i32
      %cond3A = arith.constant 0 : i32
      %cond3A_285 = arith.cmpi ne, %convert_element_type3A, %cond3A : i32
      scf.if %cond3A_285 {
        %rem3A_321 = arith.constant 6 : i32
        %rem3A_322 = arith.remsi %add3A_283, %rem3A_321 : i32
        %ge3A = arith.constant 6 : i32
        %ge3A_323 = arith.cmpi sge, %add3A_283, %ge3A : i32
        %convert_element_type3A_324 = arith.extui %ge3A_323 : i1 to i32
        %cond3A_325 = arith.constant 0 : i32
        %cond3A_326 = arith.cmpi ne, %convert_element_type3A_324, %cond3A_325 : i32
        scf.if %cond3A_326 {
          %dma_wait3A_367 = arith.constant 0 : i32
          %dma_wait3A_368 = arith.constant 0 : i32
          %dma_wait3A_369 = arith.constant 0 : i32
          %dma_wait3A_370 = tpu.memref_slice %arg8[%rem3A_322, %dma_wait3A_368, %dma_wait3A_369] : memref<6x16x768xf32, #tpu.memory_space<vmem>> -> memref<1x16x768xf32, #tpu.memory_space<vmem>>
          %dma_wait3A_371 = tpu.memref_squeeze %dma_wait3A_370 : memref<1x16x768xf32, #tpu.memory_space<vmem>> -> memref<16x768xf32, #tpu.memory_space<vmem>>
          %dma_wait3A_372 = arith.constant 0 : i32
          %dma_wait3A_373 = arith.constant 0 : i32
          %dma_wait3A_374 = tpu.memref_slice %arg5[%dma_wait3A_367, %dma_wait3A_372, %dma_wait3A_373] : memref<4x2048x768xf32, #tpu.memory_space<hbm>> -> memref<1x16x768xf32, #tpu.memory_space<hbm>>
          %dma_wait3A_375 = tpu.memref_squeeze %dma_wait3A_374 : memref<1x16x768xf32, #tpu.memory_space<hbm>> -> memref<16x768xf32, #tpu.memory_space<hbm>>
          %dma_wait3A_376 = tpu.memref_slice %arg10[%rem3A_322] : memref<6x!tpu.dma_semaphore, #tpu.memory_space<semaphore_mem>> -> memref<1x!tpu.dma_semaphore, #tpu.memory_space<semaphore_mem>>
          %dma_wait3A_377 = tpu.memref_squeeze %dma_wait3A_376 : memref<1x!tpu.dma_semaphore, #tpu.memory_space<semaphore_mem>> -> memref<!tpu.dma_semaphore, #tpu.memory_space<semaphore_mem>>
          %dma_wait3A_378 = arith.constant 0 : i32
          %dma_wait3A_379 = arith.constant 0 : i32
          %dma_wait3A_380 = tpu.memref_slice %arg5[%dma_wait3A_367, %dma_wait3A_378, %dma_wait3A_379] : memref<4x2048x768xf32, #tpu.memory_space<hbm>> -> memref<1x16x768xf32, #tpu.memory_space<hbm>>
          %dma_wait3A_381 = tpu.memref_squeeze %dma_wait3A_380 : memref<1x16x768xf32, #tpu.memory_space<hbm>> -> memref<16x768xf32, #tpu.memory_space<hbm>>
          %dma_wait3A_382 = arith.constant 0 : i32
          %dma_wait3A_383 = arith.constant 0 : i32
          %dma_wait3A_384 = tpu.memref_slice %arg8[%rem3A_322, %dma_wait3A_382, %dma_wait3A_383] : memref<6x16x768xf32, #tpu.memory_space<vmem>> -> memref<1x16x768xf32, #tpu.memory_space<vmem>>
          %dma_wait3A_385 = tpu.memref_squeeze %dma_wait3A_384 : memref<1x16x768xf32, #tpu.memory_space<vmem>> -> memref<16x768xf32, #tpu.memory_space<vmem>>
          tpu.wait_dma2 semaphore(%dma_wait3A_377 : memref<!tpu.dma_semaphore, #tpu.memory_space<semaphore_mem>>) src(%dma_wait3A_385 : memref<16x768xf32, #tpu.memory_space<vmem>>) dst(%dma_wait3A_381 : memref<16x768xf32, #tpu.memory_space<hbm>>)
        } else {
        }
        %jit3A_327 = arith.constant 4 : i32
        %div3A_328 = arith.divsi %add3A_283, %jit3A_327 : i32
        %sign3A_329 = arith.constant 0 : i32
        %sign3A_330 = arith.cmpi sgt, %add3A_283, %sign3A_329 : i32
        %sign3A_331 = arith.extui %sign3A_330 : i1 to i32
        %sign3A_332 = arith.constant 0 : i32
        %sign3A_333 = arith.cmpi slt, %add3A_283, %sign3A_332 : i32
        %sign3A_334 = arith.extui %sign3A_333 : i1 to i32
        %sign3A_335 = arith.subi %sign3A_331, %sign3A_334 : i32
        %sign3A_336 = arith.constant 0 : i32
        %sign3A_337 = arith.cmpi sgt, %jit3A_327, %sign3A_336 : i32
        %sign3A_338 = arith.extui %sign3A_337 : i1 to i32
        %sign3A_339 = arith.constant 0 : i32
        %sign3A_340 = arith.cmpi slt, %jit3A_327, %sign3A_339 : i32
        %sign3A_341 = arith.extui %sign3A_340 : i1 to i32
        %sign3A_342 = arith.subi %sign3A_338, %sign3A_341 : i32
        %ne3A_343 = arith.cmpi ne, %sign3A_335, %sign3A_342 : i32
        %rem3A_344 = arith.remsi %add3A_283, %jit3A_327 : i32
        %ne3A_345 = arith.constant 0 : i32
        %ne3A_346 = arith.cmpi ne, %rem3A_344, %ne3A_345 : i32
        %and3A_347 = arith.andi %ne3A_343, %ne3A_346 : i1
        %sub3A_348 = arith.constant 1 : i32
        %sub3A_349 = arith.subi %div3A_328, %sub3A_348 : i32
        %select_n3A_350 = arith.select %and3A_347, %sub3A_349, %div3A_328 : i32
        %mul3A_351 = arith.constant 4 : i32
        %mul3A_352 = arith.muli %select_n3A_350, %mul3A_351 : i32
        %sub3A_353 = arith.subi %add3A_283, %mul3A_352 : i32
        %mul3A_354 = arith.constant 16 : i32
        %mul3A_355 = arith.muli %sub3A_353, %mul3A_354 : i32
        %dma_start3A_356 = arith.constant 0 : i32
        %dma_start3A_357 = arith.constant 0 : i32
        %dma_start3A_358 = tpu.memref_slice %arg8[%rem3A_322, %dma_start3A_356, %dma_start3A_357] : memref<6x16x768xf32, #tpu.memory_space<vmem>> -> memref<1x16x768xf32, #tpu.memory_space<vmem>>
        %dma_start3A_359 = tpu.memref_squeeze %dma_start3A_358 : memref<1x16x768xf32, #tpu.memory_space<vmem>> -> memref<16x768xf32, #tpu.memory_space<vmem>>
        %dma_start3A_360 = tpu.memref_slice %arg6[%select_n3A_350, %mul3A_355] : memref<4x64xi32, #tpu.memory_space<vmem>> -> memref<1x16xi32, #tpu.memory_space<vmem>>
        %dma_start3A_361 = tpu.memref_squeeze %dma_start3A_360 : memref<1x16xi32, #tpu.memory_space<vmem>> -> memref<16xi32, #tpu.memory_space<vmem>>
        %dma_start3A_362 = arith.constant 0 : i32
        %dma_start3A_363 = arith.constant 0 : i32
        %dma_start3A_364 = tpu.memref_slice %arg3[%dma_start3A_362, %dma_start3A_363] : memref<50257x768xf32, #tpu.memory_space<hbm>> -> memref<50257x768xf32, #tpu.memory_space<hbm>>
        %dma_start3A_365 = tpu.memref_slice %arg9[%rem3A_322] : memref<6x!tpu.dma_semaphore, #tpu.memory_space<semaphore_mem>> -> memref<1x!tpu.dma_semaphore, #tpu.memory_space<semaphore_mem>>
        %dma_start3A_366 = tpu.memref_squeeze %dma_start3A_365 : memref<1x!tpu.dma_semaphore, #tpu.memory_space<semaphore_mem>> -> memref<!tpu.dma_semaphore, #tpu.memory_space<semaphore_mem>>
        tpu.enqueue_indirect_dma source(%dma_start3A_364 : memref<50257x768xf32, #tpu.memory_space<hbm>>) target(%dma_start3A_359 : memref<16x768xf32, #tpu.memory_space<vmem>>) offsets(%dma_start3A_361 : memref<16xi32, #tpu.memory_space<vmem>>) semaphore(%dma_start3A_366 : memref<!tpu.dma_semaphore, #tpu.memory_space<semaphore_mem>>)
      } else {
      }
      %dma_wait3A_286 = arith.constant 0 : i32
      %dma_wait3A_287 = arith.constant 0 : i32
      %dma_wait3A_288 = arith.constant 0 : i32
      %dma_wait3A_289 = tpu.memref_slice %arg8[%rem3A_261, %dma_wait3A_287, %dma_wait3A_288] : memref<6x16x768xf32, #tpu.memory_space<vmem>> -> memref<1x16x768xf32, #tpu.memory_space<vmem>>
      %dma_wait3A_290 = tpu.memref_squeeze %dma_wait3A_289 : memref<1x16x768xf32, #tpu.memory_space<vmem>> -> memref<16x768xf32, #tpu.memory_space<vmem>>
      %dma_wait3A_291 = arith.constant 0 : i32
      %dma_wait3A_292 = tpu.memref_slice %arg6[%dma_wait3A_286, %dma_wait3A_291] : memref<4x64xi32, #tpu.memory_space<vmem>> -> memref<1x16xi32, #tpu.memory_space<vmem>>
      %dma_wait3A_293 = tpu.memref_squeeze %dma_wait3A_292 : memref<1x16xi32, #tpu.memory_space<vmem>> -> memref<16xi32, #tpu.memory_space<vmem>>
      %dma_wait3A_294 = arith.constant 0 : i32
      %dma_wait3A_295 = arith.constant 0 : i32
      %dma_wait3A_296 = tpu.memref_slice %arg3[%dma_wait3A_294, %dma_wait3A_295] : memref<50257x768xf32, #tpu.memory_space<hbm>> -> memref<50257x768xf32, #tpu.memory_space<hbm>>
      %dma_wait3A_297 = tpu.memref_slice %arg9[%rem3A_261] : memref<6x!tpu.dma_semaphore, #tpu.memory_space<semaphore_mem>> -> memref<1x!tpu.dma_semaphore, #tpu.memory_space<semaphore_mem>>
      %dma_wait3A_298 = tpu.memref_squeeze %dma_wait3A_297 : memref<1x!tpu.dma_semaphore, #tpu.memory_space<semaphore_mem>> -> memref<!tpu.dma_semaphore, #tpu.memory_space<semaphore_mem>>
      tpu.wait_indirect_dma semaphore(%dma_wait3A_298 : memref<!tpu.dma_semaphore, #tpu.memory_space<semaphore_mem>>) src(%dma_wait3A_296 : memref<50257x768xf32, #tpu.memory_space<hbm>>) dst(%dma_wait3A_290 : memref<16x768xf32, #tpu.memory_space<vmem>>)
      %parallel_loop3A = arith.constant 0 : i32
      %parallel_loop3A_299 = arith.constant 16 : i32
      %parallel_loop3A_300 = arith.constant 1 : i32
      scf.for %parallel_loop3A_321 = %parallel_loop3A to %parallel_loop3A_299 step %parallel_loop3A_300  : i32 {
        %parallel_loop3A_322 = arith.constant 16 : i32
        %parallel_loop3A_323 = arith.muli %sub3A_281, %parallel_loop3A_322 : i32
        %parallel_loop3A_324 = arith.addi %parallel_loop3A_323, %parallel_loop3A_321 : i32
        %parallel_loop3A_325 = arith.index_cast %parallel_loop3A_324 : i32 to index
        %parallel_loop3A_326 = arith.constant 0 : index
        %parallel_loop3A_327 = tpu.vector_load %arg7[%parallel_loop3A_325, %parallel_loop3A_326] {strides = array<i32>} : memref<64x768xf32, #tpu.memory_space<vmem>>, vector<1x16xf32>,
        %parallel_loop3A_328 = vector.shape_cast %parallel_loop3A_327 : vector<1x16xf32> to vector<16xf32>
        %parallel_loop3A_329 = arith.index_cast %rem3A_261 : i32 to index
        %parallel_loop3A_330 = arith.index_cast %parallel_loop3A_321 : i32 to index
        %parallel_loop3A_331 = arith.constant 0 : index
        %parallel_loop3A_332 = tpu.vector_load %arg8[%parallel_loop3A_329, %parallel_loop3A_330, %parallel_loop3A_331] {strides = array<i32>} : memref<6x16x768xf32, #tpu.memory_space<vmem>>, vector<1x1x16xf32>,
        %parallel_loop3A_333 = vector.shape_cast %parallel_loop3A_332 : vector<1x1x16xf32> to vector<16xf32>
        %parallel_loop3A_334 = vector.shape_cast %parallel_loop3A_328 : vector<16xf32> to vector<1x1x16xf32>
        tpu.vector_store %arg8[%parallel_loop3A_329, %parallel_loop3A_330, %parallel_loop3A_331], %parallel_loop3A_334 {add = true, strides = array<i32>} : memref<6x16x768xf32, #tpu.memory_space<vmem>>, vector<1x1x16xf32>,
        %parallel_loop3A_335 = arith.constant 16 : i32
        %parallel_loop3A_336 = arith.muli %sub3A_281, %parallel_loop3A_335 : i32
        %parallel_loop3A_337 = arith.addi %parallel_loop3A_336, %parallel_loop3A_321 : i32
        %parallel_loop3A_338 = arith.index_cast %parallel_loop3A_337 : i32 to index
        %parallel_loop3A_339 = arith.constant 16 : index
        %parallel_loop3A_340 = tpu.vector_load %arg7[%parallel_loop3A_338, %parallel_loop3A_339] {strides = array<i32>} : memref<64x768xf32, #tpu.memory_space<vmem>>, vector<1x16xf32>,
        %parallel_loop3A_341 = vector.shape_cast %parallel_loop3A_340 : vector<1x16xf32> to vector<16xf32>
        %parallel_loop3A_342 = arith.index_cast %rem3A_261 : i32 to index
        %parallel_loop3A_343 = arith.index_cast %parallel_loop3A_321 : i32 to index
        %parallel_loop3A_344 = arith.constant 16 : index
        %parallel_loop3A_345 = tpu.vector_load %arg8[%parallel_loop3A_342, %parallel_loop3A_343, %parallel_loop3A_344] {strides = array<i32>} : memref<6x16x768xf32, #tpu.memory_space<vmem>>, vector<1x1x16xf32>,
        %parallel_loop3A_346 = vector.shape_cast %parallel_loop3A_345 : vector<1x1x16xf32> to vector<16xf32>
        %parallel_loop3A_347 = vector.shape_cast %parallel_loop3A_341 : vector<16xf32> to vector<1x1x16xf32>
        tpu.vector_store %arg8[%parallel_loop3A_342, %parallel_loop3A_343, %parallel_loop3A_344], %parallel_loop3A_347 {add = true, strides = array<i32>} : memref<6x16x768xf32, #tpu.memory_space<vmem>>, vector<1x1x16xf32>,
        %parallel_loop3A_348 = arith.constant 16 : i32
        %parallel_loop3A_349 = arith.muli %sub3A_281, %parallel_loop3A_348 : i32
        %parallel_loop3A_350 = arith.addi %parallel_loop3A_349, %parallel_loop3A_321 : i32
        %parallel_loop3A_351 = arith.index_cast %parallel_loop3A_350 : i32 to index
        %parallel_loop3A_352 = arith.constant 32 : index
        %parallel_loop3A_353 = tpu.vector_load %arg7[%parallel_loop3A_351, %parallel_loop3A_352] {strides = array<i32>} : memref<64x768xf32, #tpu.memory_space<vmem>>, vector<1x16xf32>,
        %parallel_loop3A_354 = vector.shape_cast %parallel_loop3A_353 : vector<1x16xf32> to vector<16xf32>
        %parallel_loop3A_355 = arith.index_cast %rem3A_261 : i32 to index
        %parallel_loop3A_356 = arith.index_cast %parallel_loop3A_321 : i32 to index
        %parallel_loop3A_357 = arith.constant 32 : index
        %parallel_loop3A_358 = tpu.vector_load %arg8[%parallel_loop3A_355, %parallel_loop3A_356, %parallel_loop3A_357] {strides = array<i32>} : memref<6x16x768xf32, #tpu.memory_space<vmem>>, vector<1x1x16xf32>,
        %parallel_loop3A_359 = vector.shape_cast %parallel_loop3A_358 : vector<1x1x16xf32> to vector<16xf32>
        %parallel_loop3A_360 = vector.shape_cast %parallel_loop3A_354 : vector<16xf32> to vector<1x1x16xf32>
        tpu.vector_store %arg8[%parallel_loop3A_355, %parallel_loop3A_356, %parallel_loop3A_357], %parallel_loop3A_360 {add = true, strides = array<i32>} : memref<6x16x768xf32, #tpu.memory_space<vmem>>, vector<1x1x16xf32>,
        %parallel_loop3A_361 = arith.constant 16 : i32
        %parallel_loop3A_362 = arith.muli %sub3A_281, %parallel_loop3A_361 : i32
        %parallel_loop3A_363 = arith.addi %parallel_loop3A_362, %parallel_loop3A_321 : i32
        %parallel_loop3A_364 = arith.index_cast %parallel_loop3A_363 : i32 to index
        %parallel_loop3A_365 = arith.constant 48 : index
        %parallel_loop3A_366 = tpu.vector_load %arg7[%parallel_loop3A_364, %parallel_loop3A_365] {strides = array<i32>} : memref<64x768xf32, #tpu.memory_space<vmem>>, vector<1x16xf32>,
        %parallel_loop3A_367 = vector.shape_cast %parallel_loop3A_366 : vector<1x16xf32> to vector<16xf32>
        %parallel_loop3A_368 = arith.index_cast %rem3A_261 : i32 to index
        %parallel_loop3A_369 = arith.index_cast %parallel_loop3A_321 : i32 to index
        %parallel_loop3A_370 = arith.constant 48 : index
        %parallel_loop3A_371 = tpu.vector_load %arg8[%parallel_loop3A_368, %parallel_loop3A_369, %parallel_loop3A_370] {strides = array<i32>} : memref<6x16x768xf32, #tpu.memory_space<vmem>>, vector<1x1x16xf32>,
        %parallel_loop3A_372 = vector.shape_cast %parallel_loop3A_371 : vector<1x1x16xf32> to vector<16xf32>
        %parallel_loop3A_373 = vector.shape_cast %parallel_loop3A_367 : vector<16xf32> to vector<1x1x16xf32>
        tpu.vector_store %arg8[%parallel_loop3A_368, %parallel_loop3A_369, %parallel_loop3A_370], %parallel_loop3A_373 {add = true, strides = array<i32>} : memref<6x16x768xf32, #tpu.memory_space<vmem>>, vector<1x1x16xf32>,
        %parallel_loop3A_374 = arith.constant 16 : i32
        %parallel_loop3A_375 = arith.muli %sub3A_281, %parallel_loop3A_374 : i32
        %parallel_loop3A_376 = arith.addi %parallel_loop3A_375, %parallel_loop3A_321 : i32
        %parallel_loop3A_377 = arith.index_cast %parallel_loop3A_376 : i32 to index
        %parallel_loop3A_378 = arith.constant 64 : index
        %parallel_loop3A_379 = tpu.vector_load %arg7[%parallel_loop3A_377, %parallel_loop3A_378] {strides = array<i32>} : memref<64x768xf32, #tpu.memory_space<vmem>>, vector<1x16xf32>,
        %parallel_loop3A_380 = vector.shape_cast %parallel_loop3A_379 : vector<1x16xf32> to vector<16xf32>
        %parallel_loop3A_381 = arith.index_cast %rem3A_261 : i32 to index
        %parallel_loop3A_382 = arith.index_cast %parallel_loop3A_321 : i32 to index
        %parallel_loop3A_383 = arith.constant 64 : index
        %parallel_loop3A_384 = tpu.vector_load %arg8[%parallel_loop3A_381, %parallel_loop3A_382, %parallel_loop3A_383] {strides = array<i32>} : memref<6x16x768xf32, #tpu.memory_space<vmem>>, vector<1x1x16xf32>,
        %parallel_loop3A_385 = vector.shape_cast %parallel_loop3A_384 : vector<1x1x16xf32> to vector<16xf32>
        %parallel_loop3A_386 = vector.shape_cast %parallel_loop3A_380 : vector<16xf32> to vector<1x1x16xf32>
        tpu.vector_store %arg8[%parallel_loop3A_381, %parallel_loop3A_382, %parallel_loop3A_383], %parallel_loop3A_386 {add = true, strides = array<i32>} : memref<6x16x768xf32, #tpu.memory_space<vmem>>, vector<1x1x16xf32>,
        %parallel_loop3A_387 = arith.constant 16 : i32
        %parallel_loop3A_388 = arith.muli %sub3A_281, %parallel_loop3A_387 : i32
        %parallel_loop3A_389 = arith.addi %parallel_loop3A_388, %parallel_loop3A_321 : i32
        %parallel_loop3A_390 = arith.index_cast %parallel_loop3A_389 : i32 to index
        %parallel_loop3A_391 = arith.constant 80 : index
        %parallel_loop3A_392 = tpu.vector_load %arg7[%parallel_loop3A_390, %parallel_loop3A_391] {strides = array<i32>} : memref<64x768xf32, #tpu.memory_space<vmem>>, vector<1x16xf32>,
        %parallel_loop3A_393 = vector.shape_cast %parallel_loop3A_392 : vector<1x16xf32> to vector<16xf32>
        %parallel_loop3A_394 = arith.index_cast %rem3A_261 : i32 to index
        %parallel_loop3A_395 = arith.index_cast %parallel_loop3A_321 : i32 to index
        %parallel_loop3A_396 = arith.constant 80 : index
        %parallel_loop3A_397 = tpu.vector_load %arg8[%parallel_loop3A_394, %parallel_loop3A_395, %parallel_loop3A_396] {strides = array<i32>} : memref<6x16x768xf32, #tpu.memory_space<vmem>>, vector<1x1x16xf32>,
        %parallel_loop3A_398 = vector.shape_cast %parallel_loop3A_397 : vector<1x1x16xf32> to vector<16xf32>
        %parallel_loop3A_399 = vector.shape_cast %parallel_loop3A_393 : vector<16xf32> to vector<1x1x16xf32>
        tpu.vector_store %arg8[%parallel_loop3A_394, %parallel_loop3A_395, %parallel_loop3A_396], %parallel_loop3A_399 {add = true, strides = array<i32>} : memref<6x16x768xf32, #tpu.memory_space<vmem>>, vector<1x1x16xf32>,
        %parallel_loop3A_400 = arith.constant 16 : i32
        %parallel_loop3A_401 = arith.muli %sub3A_281, %parallel_loop3A_400 : i32
        %parallel_loop3A_402 = arith.addi %parallel_loop3A_401, %parallel_loop3A_321 : i32
        %parallel_loop3A_403 = arith.index_cast %parallel_loop3A_402 : i32 to index
        %parallel_loop3A_404 = arith.constant 96 : index
        %parallel_loop3A_405 = tpu.vector_load %arg7[%parallel_loop3A_403, %parallel_loop3A_404] {strides = array<i32>} : memref<64x768xf32, #tpu.memory_space<vmem>>, vector<1x16xf32>,
        %parallel_loop3A_406 = vector.shape_cast %parallel_loop3A_405 : vector<1x16xf32> to vector<16xf32>
        %parallel_loop3A_407 = arith.index_cast %rem3A_261 : i32 to index
        %parallel_loop3A_408 = arith.index_cast %parallel_loop3A_321 : i32 to index
        %parallel_loop3A_409 = arith.constant 96 : index
        %parallel_loop3A_410 = tpu.vector_load %arg8[%parallel_loop3A_407, %parallel_loop3A_408, %parallel_loop3A_409] {strides = array<i32>} : memref<6x16x768xf32, #tpu.memory_space<vmem>>, vector<1x1x16xf32>,
        %parallel_loop3A_411 = vector.shape_cast %parallel_loop3A_410 : vector<1x1x16xf32> to vector<16xf32>
        %parallel_loop3A_412 = vector.shape_cast %parallel_loop3A_406 : vector<16xf32> to vector<1x1x16xf32>
        tpu.vector_store %arg8[%parallel_loop3A_407, %parallel_loop3A_408, %parallel_loop3A_409], %parallel_loop3A_412 {add = true, strides = array<i32>} : memref<6x16x768xf32, #tpu.memory_space<vmem>>, vector<1x1x16xf32>,
        %parallel_loop3A_413 = arith.constant 16 : i32
        %parallel_loop3A_414 = arith.muli %sub3A_281, %parallel_loop3A_413 : i32
        %parallel_loop3A_415 = arith.addi %parallel_loop3A_414, %parallel_loop3A_321 : i32
        %parallel_loop3A_416 = arith.index_cast %parallel_loop3A_415 : i32 to index
        %parallel_loop3A_417 = arith.constant 112 : index
        %parallel_loop3A_418 = tpu.vector_load %arg7[%parallel_loop3A_416, %parallel_loop3A_417] {strides = array<i32>} : memref<64x768xf32, #tpu.memory_space<vmem>>, vector<1x16xf32>,
        %parallel_loop3A_419 = vector.shape_cast %parallel_loop3A_418 : vector<1x16xf32> to vector<16xf32>
        %parallel_loop3A_420 = arith.index_cast %rem3A_261 : i32 to index
        %parallel_loop3A_421 = arith.index_cast %parallel_loop3A_321 : i32 to index
        %parallel_loop3A_422 = arith.constant 112 : index
        %parallel_loop3A_423 = tpu.vector_load %arg8[%parallel_loop3A_420, %parallel_loop3A_421, %parallel_loop3A_422] {strides = array<i32>} : memref<6x16x768xf32, #tpu.memory_space<vmem>>, vector<1x1x16xf32>,
        %parallel_loop3A_424 = vector.shape_cast %parallel_loop3A_423 : vector<1x1x16xf32> to vector<16xf32>
        %parallel_loop3A_425 = vector.shape_cast %parallel_loop3A_419 : vector<16xf32> to vector<1x1x16xf32>
        tpu.vector_store %arg8[%parallel_loop3A_420, %parallel_loop3A_421, %parallel_loop3A_422], %parallel_loop3A_425 {add = true, strides = array<i32>} : memref<6x16x768xf32, #tpu.memory_space<vmem>>, vector<1x1x16xf32>,
        %parallel_loop3A_426 = arith.constant 16 : i32
        %parallel_loop3A_427 = arith.muli %sub3A_281, %parallel_loop3A_426 : i32
        %parallel_loop3A_428 = arith.addi %parallel_loop3A_427, %parallel_loop3A_321 : i32
        %parallel_loop3A_429 = arith.index_cast %parallel_loop3A_428 : i32 to index
        %parallel_loop3A_430 = arith.constant 128 : index
        %parallel_loop3A_431 = tpu.vector_load %arg7[%parallel_loop3A_429, %parallel_loop3A_430] {strides = array<i32>} : memref<64x768xf32, #tpu.memory_space<vmem>>, vector<1x16xf32>,
        %parallel_loop3A_432 = vector.shape_cast %parallel_loop3A_431 : vector<1x16xf32> to vector<16xf32>
        %parallel_loop3A_433 = arith.index_cast %rem3A_261 : i32 to index
        %parallel_loop3A_434 = arith.index_cast %parallel_loop3A_321 : i32 to index
        %parallel_loop3A_435 = arith.constant 128 : index
        %parallel_loop3A_436 = tpu.vector_load %arg8[%parallel_loop3A_433, %parallel_loop3A_434, %parallel_loop3A_435] {strides = array<i32>} : memref<6x16x768xf32, #tpu.memory_space<vmem>>, vector<1x1x16xf32>,
        %parallel_loop3A_437 = vector.shape_cast %parallel_loop3A_436 : vector<1x1x16xf32> to vector<16xf32>
        %parallel_loop3A_438 = vector.shape_cast %parallel_loop3A_432 : vector<16xf32> to vector<1x1x16xf32>
        tpu.vector_store %arg8[%parallel_loop3A_433, %parallel_loop3A_434, %parallel_loop3A_435], %parallel_loop3A_438 {add = true, strides = array<i32>} : memref<6x16x768xf32, #tpu.memory_space<vmem>>, vector<1x1x16xf32>,
        %parallel_loop3A_439 = arith.constant 16 : i32
        %parallel_loop3A_440 = arith.muli %sub3A_281, %parallel_loop3A_439 : i32
        %parallel_loop3A_441 = arith.addi %parallel_loop3A_440, %parallel_loop3A_321 : i32
        %parallel_loop3A_442 = arith.index_cast %parallel_loop3A_441 : i32 to index
        %parallel_loop3A_443 = arith.constant 144 : index
        %parallel_loop3A_444 = tpu.vector_load %arg7[%parallel_loop3A_442, %parallel_loop3A_443] {strides = array<i32>} : memref<64x768xf32, #tpu.memory_space<vmem>>, vector<1x16xf32>,
        %parallel_loop3A_445 = vector.shape_cast %parallel_loop3A_444 : vector<1x16xf32> to vector<16xf32>
        %parallel_loop3A_446 = arith.index_cast %rem3A_261 : i32 to index
        %parallel_loop3A_447 = arith.index_cast %parallel_loop3A_321 : i32 to index
        %parallel_loop3A_448 = arith.constant 144 : index
        %parallel_loop3A_449 = tpu.vector_load %arg8[%parallel_loop3A_446, %parallel_loop3A_447, %parallel_loop3A_448] {strides = array<i32>} : memref<6x16x768xf32, #tpu.memory_space<vmem>>, vector<1x1x16xf32>,
        %parallel_loop3A_450 = vector.shape_cast %parallel_loop3A_449 : vector<1x1x16xf32> to vector<16xf32>
        %parallel_loop3A_451 = vector.shape_cast %parallel_loop3A_445 : vector<16xf32> to vector<1x1x16xf32>
        tpu.vector_store %arg8[%parallel_loop3A_446, %parallel_loop3A_447, %parallel_loop3A_448], %parallel_loop3A_451 {add = true, strides = array<i32>} : memref<6x16x768xf32, #tpu.memory_space<vmem>>, vector<1x1x16xf32>,
        %parallel_loop3A_452 = arith.constant 16 : i32
        %parallel_loop3A_453 = arith.muli %sub3A_281, %parallel_loop3A_452 : i32
        %parallel_loop3A_454 = arith.addi %parallel_loop3A_453, %parallel_loop3A_321 : i32
        %parallel_loop3A_455 = arith.index_cast %parallel_loop3A_454 : i32 to index
        %parallel_loop3A_456 = arith.constant 160 : index
        %parallel_loop3A_457 = tpu.vector_load %arg7[%parallel_loop3A_455, %parallel_loop3A_456] {strides = array<i32>} : memref<64x768xf32, #tpu.memory_space<vmem>>, vector<1x16xf32>,
        %parallel_loop3A_458 = vector.shape_cast %parallel_loop3A_457 : vector<1x16xf32> to vector<16xf32>
        %parallel_loop3A_459 = arith.index_cast %rem3A_261 : i32 to index
        %parallel_loop3A_460 = arith.index_cast %parallel_loop3A_321 : i32 to index
        %parallel_loop3A_461 = arith.constant 160 : index
        %parallel_loop3A_462 = tpu.vector_load %arg8[%parallel_loop3A_459, %parallel_loop3A_460, %parallel_loop3A_461] {strides = array<i32>} : memref<6x16x768xf32, #tpu.memory_space<vmem>>, vector<1x1x16xf32>,
        %parallel_loop3A_463 = vector.shape_cast %parallel_loop3A_462 : vector<1x1x16xf32> to vector<16xf32>
        %parallel_loop3A_464 = vector.shape_cast %parallel_loop3A_458 : vector<16xf32> to vector<1x1x16xf32>
        tpu.vector_store %arg8[%parallel_loop3A_459, %parallel_loop3A_460, %parallel_loop3A_461], %parallel_loop3A_464 {add = true, strides = array<i32>} : memref<6x16x768xf32, #tpu.memory_space<vmem>>, vector<1x1x16xf32>,
        %parallel_loop3A_465 = arith.constant 16 : i32
        %parallel_loop3A_466 = arith.muli %sub3A_281, %parallel_loop3A_465 : i32
        %parallel_loop3A_467 = arith.addi %parallel_loop3A_466, %parallel_loop3A_321 : i32
        %parallel_loop3A_468 = arith.index_cast %parallel_loop3A_467 : i32 to index
        %parallel_loop3A_469 = arith.constant 176 : index
        %parallel_loop3A_470 = tpu.vector_load %arg7[%parallel_loop3A_468, %parallel_loop3A_469] {strides = array<i32>} : memref<64x768xf32, #tpu.memory_space<vmem>>, vector<1x16xf32>,
        %parallel_loop3A_471 = vector.shape_cast %parallel_loop3A_470 : vector<1x16xf32> to vector<16xf32>
        %parallel_loop3A_472 = arith.index_cast %rem3A_261 : i32 to index
        %parallel_loop3A_473 = arith.index_cast %parallel_loop3A_321 : i32 to index
        %parallel_loop3A_474 = arith.constant 176 : index
        %parallel_loop3A_475 = tpu.vector_load %arg8[%parallel_loop3A_472, %parallel_loop3A_473, %parallel_loop3A_474] {strides = array<i32>} : memref<6x16x768xf32, #tpu.memory_space<vmem>>, vector<1x1x16xf32>,
        %parallel_loop3A_476 = vector.shape_cast %parallel_loop3A_475 : vector<1x1x16xf32> to vector<16xf32>
        %parallel_loop3A_477 = vector.shape_cast %parallel_loop3A_471 : vector<16xf32> to vector<1x1x16xf32>
        tpu.vector_store %arg8[%parallel_loop3A_472, %parallel_loop3A_473, %parallel_loop3A_474], %parallel_loop3A_477 {add = true, strides = array<i32>} : memref<6x16x768xf32, #tpu.memory_space<vmem>>, vector<1x1x16xf32>,
        %parallel_loop3A_478 = arith.constant 16 : i32
        %parallel_loop3A_479 = arith.muli %sub3A_281, %parallel_loop3A_478 : i32
        %parallel_loop3A_480 = arith.addi %parallel_loop3A_479, %parallel_loop3A_321 : i32
        %parallel_loop3A_481 = arith.index_cast %parallel_loop3A_480 : i32 to index
        %parallel_loop3A_482 = arith.constant 192 : index
        %parallel_loop3A_483 = tpu.vector_load %arg7[%parallel_loop3A_481, %parallel_loop3A_482] {strides = array<i32>} : memref<64x768xf32, #tpu.memory_space<vmem>>, vector<1x16xf32>,
        %parallel_loop3A_484 = vector.shape_cast %parallel_loop3A_483 : vector<1x16xf32> to vector<16xf32>
        %parallel_loop3A_485 = arith.index_cast %rem3A_261 : i32 to index
        %parallel_loop3A_486 = arith.index_cast %parallel_loop3A_321 : i32 to index
        %parallel_loop3A_487 = arith.constant 192 : index
        %parallel_loop3A_488 = tpu.vector_load %arg8[%parallel_loop3A_485, %parallel_loop3A_486, %parallel_loop3A_487] {strides = array<i32>} : memref<6x16x768xf32, #tpu.memory_space<vmem>>, vector<1x1x16xf32>,
        %parallel_loop3A_489 = vector.shape_cast %parallel_loop3A_488 : vector<1x1x16xf32> to vector<16xf32>
        %parallel_loop3A_490 = vector.shape_cast %parallel_loop3A_484 : vector<16xf32> to vector<1x1x16xf32>
        tpu.vector_store %arg8[%parallel_loop3A_485, %parallel_loop3A_486, %parallel_loop3A_487], %parallel_loop3A_490 {add = true, strides = array<i32>} : memref<6x16x768xf32, #tpu.memory_space<vmem>>, vector<1x1x16xf32>,
        %parallel_loop3A_491 = arith.constant 16 : i32
        %parallel_loop3A_492 = arith.muli %sub3A_281, %parallel_loop3A_491 : i32
        %parallel_loop3A_493 = arith.addi %parallel_loop3A_492, %parallel_loop3A_321 : i32
        %parallel_loop3A_494 = arith.index_cast %parallel_loop3A_493 : i32 to index
        %parallel_loop3A_495 = arith.constant 208 : index
        %parallel_loop3A_496 = tpu.vector_load %arg7[%parallel_loop3A_494, %parallel_loop3A_495] {strides = array<i32>} : memref<64x768xf32, #tpu.memory_space<vmem>>, vector<1x16xf32>,
        %parallel_loop3A_497 = vector.shape_cast %parallel_loop3A_496 : vector<1x16xf32> to vector<16xf32>
        %parallel_loop3A_498 = arith.index_cast %rem3A_261 : i32 to index
        %parallel_loop3A_499 = arith.index_cast %parallel_loop3A_321 : i32 to index
        %parallel_loop3A_500 = arith.constant 208 : index
        %parallel_loop3A_501 = tpu.vector_load %arg8[%parallel_loop3A_498, %parallel_loop3A_499, %parallel_loop3A_500] {strides = array<i32>} : memref<6x16x768xf32, #tpu.memory_space<vmem>>, vector<1x1x16xf32>,
        %parallel_loop3A_502 = vector.shape_cast %parallel_loop3A_501 : vector<1x1x16xf32> to vector<16xf32>
        %parallel_loop3A_503 = vector.shape_cast %parallel_loop3A_497 : vector<16xf32> to vector<1x1x16xf32>
        tpu.vector_store %arg8[%parallel_loop3A_498, %parallel_loop3A_499, %parallel_loop3A_500], %parallel_loop3A_503 {add = true, strides = array<i32>} : memref<6x16x768xf32, #tpu.memory_space<vmem>>, vector<1x1x16xf32>,
        %parallel_loop3A_504 = arith.constant 16 : i32
        %parallel_loop3A_505 = arith.muli %sub3A_281, %parallel_loop3A_504 : i32
        %parallel_loop3A_506 = arith.addi %parallel_loop3A_505, %parallel_loop3A_321 : i32
        %parallel_loop3A_507 = arith.index_cast %parallel_loop3A_506 : i32 to index
        %parallel_loop3A_508 = arith.constant 224 : index
        %parallel_loop3A_509 = tpu.vector_load %arg7[%parallel_loop3A_507, %parallel_loop3A_508] {strides = array<i32>} : memref<64x768xf32, #tpu.memory_space<vmem>>, vector<1x16xf32>,
        %parallel_loop3A_510 = vector.shape_cast %parallel_loop3A_509 : vector<1x16xf32> to vector<16xf32>
        %parallel_loop3A_511 = arith.index_cast %rem3A_261 : i32 to index
        %parallel_loop3A_512 = arith.index_cast %parallel_loop3A_321 : i32 to index
        %parallel_loop3A_513 = arith.constant 224 : index
        %parallel_loop3A_514 = tpu.vector_load %arg8[%parallel_loop3A_511, %parallel_loop3A_512, %parallel_loop3A_513] {strides = array<i32>} : memref<6x16x768xf32, #tpu.memory_space<vmem>>, vector<1x1x16xf32>,
        %parallel_loop3A_515 = vector.shape_cast %parallel_loop3A_514 : vector<1x1x16xf32> to vector<16xf32>
        %parallel_loop3A_516 = vector.shape_cast %parallel_loop3A_510 : vector<16xf32> to vector<1x1x16xf32>
        tpu.vector_store %arg8[%parallel_loop3A_511, %parallel_loop3A_512, %parallel_loop3A_513], %parallel_loop3A_516 {add = true, strides = array<i32>} : memref<6x16x768xf32, #tpu.memory_space<vmem>>, vector<1x1x16xf32>,
        %parallel_loop3A_517 = arith.constant 16 : i32
        %parallel_loop3A_518 = arith.muli %sub3A_281, %parallel_loop3A_517 : i32
        %parallel_loop3A_519 = arith.addi %parallel_loop3A_518, %parallel_loop3A_321 : i32
        %parallel_loop3A_520 = arith.index_cast %parallel_loop3A_519 : i32 to index
        %parallel_loop3A_521 = arith.constant 240 : index
        %parallel_loop3A_522 = tpu.vector_load %arg7[%parallel_loop3A_520, %parallel_loop3A_521] {strides = array<i32>} : memref<64x768xf32, #tpu.memory_space<vmem>>, vector<1x16xf32>,
        %parallel_loop3A_523 = vector.shape_cast %parallel_loop3A_522 : vector<1x16xf32> to vector<16xf32>
        %parallel_loop3A_524 = arith.index_cast %rem3A_261 : i32 to index
        %parallel_loop3A_525 = arith.index_cast %parallel_loop3A_321 : i32 to index
        %parallel_loop3A_526 = arith.constant 240 : index
        %parallel_loop3A_527 = tpu.vector_load %arg8[%parallel_loop3A_524, %parallel_loop3A_525, %parallel_loop3A_526] {strides = array<i32>} : memref<6x16x768xf32, #tpu.memory_space<vmem>>, vector<1x1x16xf32>,
        %parallel_loop3A_528 = vector.shape_cast %parallel_loop3A_527 : vector<1x1x16xf32> to vector<16xf32>
        %parallel_loop3A_529 = vector.shape_cast %parallel_loop3A_523 : vector<16xf32> to vector<1x1x16xf32>
        tpu.vector_store %arg8[%parallel_loop3A_524, %parallel_loop3A_525, %parallel_loop3A_526], %parallel_loop3A_529 {add = true, strides = array<i32>} : memref<6x16x768xf32, #tpu.memory_space<vmem>>, vector<1x1x16xf32>,
        %parallel_loop3A_530 = arith.constant 16 : i32
        %parallel_loop3A_531 = arith.muli %sub3A_281, %parallel_loop3A_530 : i32
        %parallel_loop3A_532 = arith.addi %parallel_loop3A_531, %parallel_loop3A_321 : i32
        %parallel_loop3A_533 = arith.index_cast %parallel_loop3A_532 : i32 to index
        %parallel_loop3A_534 = arith.constant 256 : index
        %parallel_loop3A_535 = tpu.vector_load %arg7[%parallel_loop3A_533, %parallel_loop3A_534] {strides = array<i32>} : memref<64x768xf32, #tpu.memory_space<vmem>>, vector<1x16xf32>,
        %parallel_loop3A_536 = vector.shape_cast %parallel_loop3A_535 : vector<1x16xf32> to vector<16xf32>
        %parallel_loop3A_537 = arith.index_cast %rem3A_261 : i32 to index
        %parallel_loop3A_538 = arith.index_cast %parallel_loop3A_321 : i32 to index
        %parallel_loop3A_539 = arith.constant 256 : index
        %parallel_loop3A_540 = tpu.vector_load %arg8[%parallel_loop3A_537, %parallel_loop3A_538, %parallel_loop3A_539] {strides = array<i32>} : memref<6x16x768xf32, #tpu.memory_space<vmem>>, vector<1x1x16xf32>,
        %parallel_loop3A_541 = vector.shape_cast %parallel_loop3A_540 : vector<1x1x16xf32> to vector<16xf32>
        %parallel_loop3A_542 = vector.shape_cast %parallel_loop3A_536 : vector<16xf32> to vector<1x1x16xf32>
        tpu.vector_store %arg8[%parallel_loop3A_537, %parallel_loop3A_538, %parallel_loop3A_539], %parallel_loop3A_542 {add = true, strides = array<i32>} : memref<6x16x768xf32, #tpu.memory_space<vmem>>, vector<1x1x16xf32>,
        %parallel_loop3A_543 = arith.constant 16 : i32
        %parallel_loop3A_544 = arith.muli %sub3A_281, %parallel_loop3A_543 : i32
        %parallel_loop3A_545 = arith.addi %parallel_loop3A_544, %parallel_loop3A_321 : i32
        %parallel_loop3A_546 = arith.index_cast %parallel_loop3A_545 : i32 to index
        %parallel_loop3A_547 = arith.constant 272 : index
        %parallel_loop3A_548 = tpu.vector_load %arg7[%parallel_loop3A_546, %parallel_loop3A_547] {strides = array<i32>} : memref<64x768xf32, #tpu.memory_space<vmem>>, vector<1x16xf32>,
        %parallel_loop3A_549 = vector.shape_cast %parallel_loop3A_548 : vector<1x16xf32> to vector<16xf32>
        %parallel_loop3A_550 = arith.index_cast %rem3A_261 : i32 to index
        %parallel_loop3A_551 = arith.index_cast %parallel_loop3A_321 : i32 to index
        %parallel_loop3A_552 = arith.constant 272 : index
        %parallel_loop3A_553 = tpu.vector_load %arg8[%parallel_loop3A_550, %parallel_loop3A_551, %parallel_loop3A_552] {strides = array<i32>} : memref<6x16x768xf32, #tpu.memory_space<vmem>>, vector<1x1x16xf32>,
        %parallel_loop3A_554 = vector.shape_cast %parallel_loop3A_553 : vector<1x1x16xf32> to vector<16xf32>
        %parallel_loop3A_555 = vector.shape_cast %parallel_loop3A_549 : vector<16xf32> to vector<1x1x16xf32>
        tpu.vector_store %arg8[%parallel_loop3A_550, %parallel_loop3A_551, %parallel_loop3A_552], %parallel_loop3A_555 {add = true, strides = array<i32>} : memref<6x16x768xf32, #tpu.memory_space<vmem>>, vector<1x1x16xf32>,
        %parallel_loop3A_556 = arith.constant 16 : i32
        %parallel_loop3A_557 = arith.muli %sub3A_281, %parallel_loop3A_556 : i32
        %parallel_loop3A_558 = arith.addi %parallel_loop3A_557, %parallel_loop3A_321 : i32
        %parallel_loop3A_559 = arith.index_cast %parallel_loop3A_558 : i32 to index
        %parallel_loop3A_560 = arith.constant 288 : index
        %parallel_loop3A_561 = tpu.vector_load %arg7[%parallel_loop3A_559, %parallel_loop3A_560] {strides = array<i32>} : memref<64x768xf32, #tpu.memory_space<vmem>>, vector<1x16xf32>,
        %parallel_loop3A_562 = vector.shape_cast %parallel_loop3A_561 : vector<1x16xf32> to vector<16xf32>
        %parallel_loop3A_563 = arith.index_cast %rem3A_261 : i32 to index
        %parallel_loop3A_564 = arith.index_cast %parallel_loop3A_321 : i32 to index
        %parallel_loop3A_565 = arith.constant 288 : index
        %parallel_loop3A_566 = tpu.vector_load %arg8[%parallel_loop3A_563, %parallel_loop3A_564, %parallel_loop3A_565] {strides = array<i32>} : memref<6x16x768xf32, #tpu.memory_space<vmem>>, vector<1x1x16xf32>,
        %parallel_loop3A_567 = vector.shape_cast %parallel_loop3A_566 : vector<1x1x16xf32> to vector<16xf32>
        %parallel_loop3A_568 = vector.shape_cast %parallel_loop3A_562 : vector<16xf32> to vector<1x1x16xf32>
        tpu.vector_store %arg8[%parallel_loop3A_563, %parallel_loop3A_564, %parallel_loop3A_565], %parallel_loop3A_568 {add = true, strides = array<i32>} : memref<6x16x768xf32, #tpu.memory_space<vmem>>, vector<1x1x16xf32>,
        %parallel_loop3A_569 = arith.constant 16 : i32
        %parallel_loop3A_570 = arith.muli %sub3A_281, %parallel_loop3A_569 : i32
        %parallel_loop3A_571 = arith.addi %parallel_loop3A_570, %parallel_loop3A_321 : i32
        %parallel_loop3A_572 = arith.index_cast %parallel_loop3A_571 : i32 to index
        %parallel_loop3A_573 = arith.constant 304 : index
        %parallel_loop3A_574 = tpu.vector_load %arg7[%parallel_loop3A_572, %parallel_loop3A_573] {strides = array<i32>} : memref<64x768xf32, #tpu.memory_space<vmem>>, vector<1x16xf32>,
        %parallel_loop3A_575 = vector.shape_cast %parallel_loop3A_574 : vector<1x16xf32> to vector<16xf32>
        %parallel_loop3A_576 = arith.index_cast %rem3A_261 : i32 to index
        %parallel_loop3A_577 = arith.index_cast %parallel_loop3A_321 : i32 to index
        %parallel_loop3A_578 = arith.constant 304 : index
        %parallel_loop3A_579 = tpu.vector_load %arg8[%parallel_loop3A_576, %parallel_loop3A_577, %parallel_loop3A_578] {strides = array<i32>} : memref<6x16x768xf32, #tpu.memory_space<vmem>>, vector<1x1x16xf32>,
        %parallel_loop3A_580 = vector.shape_cast %parallel_loop3A_579 : vector<1x1x16xf32> to vector<16xf32>
        %parallel_loop3A_581 = vector.shape_cast %parallel_loop3A_575 : vector<16xf32> to vector<1x1x16xf32>
        tpu.vector_store %arg8[%parallel_loop3A_576, %parallel_loop3A_577, %parallel_loop3A_578], %parallel_loop3A_581 {add = true, strides = array<i32>} : memref<6x16x768xf32, #tpu.memory_space<vmem>>, vector<1x1x16xf32>,
        %parallel_loop3A_582 = arith.constant 16 : i32
        %parallel_loop3A_583 = arith.muli %sub3A_281, %parallel_loop3A_582 : i32
        %parallel_loop3A_584 = arith.addi %parallel_loop3A_583, %parallel_loop3A_321 : i32
        %parallel_loop3A_585 = arith.index_cast %parallel_loop3A_584 : i32 to index
        %parallel_loop3A_586 = arith.constant 320 : index
        %parallel_loop3A_587 = tpu.vector_load %arg7[%parallel_loop3A_585, %parallel_loop3A_586] {strides = array<i32>} : memref<64x768xf32, #tpu.memory_space<vmem>>, vector<1x16xf32>,
        %parallel_loop3A_588 = vector.shape_cast %parallel_loop3A_587 : vector<1x16xf32> to vector<16xf32>
        %parallel_loop3A_589 = arith.index_cast %rem3A_261 : i32 to index
        %parallel_loop3A_590 = arith.index_cast %parallel_loop3A_321 : i32 to index
        %parallel_loop3A_591 = arith.constant 320 : index
        %parallel_loop3A_592 = tpu.vector_load %arg8[%parallel_loop3A_589, %parallel_loop3A_590, %parallel_loop3A_591] {strides = array<i32>} : memref<6x16x768xf32, #tpu.memory_space<vmem>>, vector<1x1x16xf32>,
        %parallel_loop3A_593 = vector.shape_cast %parallel_loop3A_592 : vector<1x1x16xf32> to vector<16xf32>
        %parallel_loop3A_594 = vector.shape_cast %parallel_loop3A_588 : vector<16xf32> to vector<1x1x16xf32>
        tpu.vector_store %arg8[%parallel_loop3A_589, %parallel_loop3A_590, %parallel_loop3A_591], %parallel_loop3A_594 {add = true, strides = array<i32>} : memref<6x16x768xf32, #tpu.memory_space<vmem>>, vector<1x1x16xf32>,
        %parallel_loop3A_595 = arith.constant 16 : i32
        %parallel_loop3A_596 = arith.muli %sub3A_281, %parallel_loop3A_595 : i32
        %parallel_loop3A_597 = arith.addi %parallel_loop3A_596, %parallel_loop3A_321 : i32
        %parallel_loop3A_598 = arith.index_cast %parallel_loop3A_597 : i32 to index
        %parallel_loop3A_599 = arith.constant 336 : index
        %parallel_loop3A_600 = tpu.vector_load %arg7[%parallel_loop3A_598, %parallel_loop3A_599] {strides = array<i32>} : memref<64x768xf32, #tpu.memory_space<vmem>>, vector<1x16xf32>,
        %parallel_loop3A_601 = vector.shape_cast %parallel_loop3A_600 : vector<1x16xf32> to vector<16xf32>
        %parallel_loop3A_602 = arith.index_cast %rem3A_261 : i32 to index
        %parallel_loop3A_603 = arith.index_cast %parallel_loop3A_321 : i32 to index
        %parallel_loop3A_604 = arith.constant 336 : index
        %parallel_loop3A_605 = tpu.vector_load %arg8[%parallel_loop3A_602, %parallel_loop3A_603, %parallel_loop3A_604] {strides = array<i32>} : memref<6x16x768xf32, #tpu.memory_space<vmem>>, vector<1x1x16xf32>,
        %parallel_loop3A_606 = vector.shape_cast %parallel_loop3A_605 : vector<1x1x16xf32> to vector<16xf32>
        %parallel_loop3A_607 = vector.shape_cast %parallel_loop3A_601 : vector<16xf32> to vector<1x1x16xf32>
        tpu.vector_store %arg8[%parallel_loop3A_602, %parallel_loop3A_603, %parallel_loop3A_604], %parallel_loop3A_607 {add = true, strides = array<i32>} : memref<6x16x768xf32, #tpu.memory_space<vmem>>, vector<1x1x16xf32>,
        %parallel_loop3A_608 = arith.constant 16 : i32
        %parallel_loop3A_609 = arith.muli %sub3A_281, %parallel_loop3A_608 : i32
        %parallel_loop3A_610 = arith.addi %parallel_loop3A_609, %parallel_loop3A_321 : i32
        %parallel_loop3A_611 = arith.index_cast %parallel_loop3A_610 : i32 to index
        %parallel_loop3A_612 = arith.constant 352 : index
        %parallel_loop3A_613 = tpu.vector_load %arg7[%parallel_loop3A_611, %parallel_loop3A_612] {strides = array<i32>} : memref<64x768xf32, #tpu.memory_space<vmem>>, vector<1x16xf32>,
        %parallel_loop3A_614 = vector.shape_cast %parallel_loop3A_613 : vector<1x16xf32> to vector<16xf32>
        %parallel_loop3A_615 = arith.index_cast %rem3A_261 : i32 to index
        %parallel_loop3A_616 = arith.index_cast %parallel_loop3A_321 : i32 to index
        %parallel_loop3A_617 = arith.constant 352 : index
        %parallel_loop3A_618 = tpu.vector_load %arg8[%parallel_loop3A_615, %parallel_loop3A_616, %parallel_loop3A_617] {strides = array<i32>} : memref<6x16x768xf32, #tpu.memory_space<vmem>>, vector<1x1x16xf32>,
        %parallel_loop3A_619 = vector.shape_cast %parallel_loop3A_618 : vector<1x1x16xf32> to vector<16xf32>
        %parallel_loop3A_620 = vector.shape_cast %parallel_loop3A_614 : vector<16xf32> to vector<1x1x16xf32>
        tpu.vector_store %arg8[%parallel_loop3A_615, %parallel_loop3A_616, %parallel_loop3A_617], %parallel_loop3A_620 {add = true, strides = array<i32>} : memref<6x16x768xf32, #tpu.memory_space<vmem>>, vector<1x1x16xf32>,
        %parallel_loop3A_621 = arith.constant 16 : i32
        %parallel_loop3A_622 = arith.muli %sub3A_281, %parallel_loop3A_621 : i32
        %parallel_loop3A_623 = arith.addi %parallel_loop3A_622, %parallel_loop3A_321 : i32
        %parallel_loop3A_624 = arith.index_cast %parallel_loop3A_623 : i32 to index
        %parallel_loop3A_625 = arith.constant 368 : index
        %parallel_loop3A_626 = tpu.vector_load %arg7[%parallel_loop3A_624, %parallel_loop3A_625] {strides = array<i32>} : memref<64x768xf32, #tpu.memory_space<vmem>>, vector<1x16xf32>,
        %parallel_loop3A_627 = vector.shape_cast %parallel_loop3A_626 : vector<1x16xf32> to vector<16xf32>
        %parallel_loop3A_628 = arith.index_cast %rem3A_261 : i32 to index
        %parallel_loop3A_629 = arith.index_cast %parallel_loop3A_321 : i32 to index
        %parallel_loop3A_630 = arith.constant 368 : index
        %parallel_loop3A_631 = tpu.vector_load %arg8[%parallel_loop3A_628, %parallel_loop3A_629, %parallel_loop3A_630] {strides = array<i32>} : memref<6x16x768xf32, #tpu.memory_space<vmem>>, vector<1x1x16xf32>,
        %parallel_loop3A_632 = vector.shape_cast %parallel_loop3A_631 : vector<1x1x16xf32> to vector<16xf32>
        %parallel_loop3A_633 = vector.shape_cast %parallel_loop3A_627 : vector<16xf32> to vector<1x1x16xf32>
        tpu.vector_store %arg8[%parallel_loop3A_628, %parallel_loop3A_629, %parallel_loop3A_630], %parallel_loop3A_633 {add = true, strides = array<i32>} : memref<6x16x768xf32, #tpu.memory_space<vmem>>, vector<1x1x16xf32>,
        %parallel_loop3A_634 = arith.constant 16 : i32
        %parallel_loop3A_635 = arith.muli %sub3A_281, %parallel_loop3A_634 : i32
        %parallel_loop3A_636 = arith.addi %parallel_loop3A_635, %parallel_loop3A_321 : i32
        %parallel_loop3A_637 = arith.index_cast %parallel_loop3A_636 : i32 to index
        %parallel_loop3A_638 = arith.constant 384 : index
        %parallel_loop3A_639 = tpu.vector_load %arg7[%parallel_loop3A_637, %parallel_loop3A_638] {strides = array<i32>} : memref<64x768xf32, #tpu.memory_space<vmem>>, vector<1x16xf32>,
        %parallel_loop3A_640 = vector.shape_cast %parallel_loop3A_639 : vector<1x16xf32> to vector<16xf32>
        %parallel_loop3A_641 = arith.index_cast %rem3A_261 : i32 to index
        %parallel_loop3A_642 = arith.index_cast %parallel_loop3A_321 : i32 to index
        %parallel_loop3A_643 = arith.constant 384 : index
        %parallel_loop3A_644 = tpu.vector_load %arg8[%parallel_loop3A_641, %parallel_loop3A_642, %parallel_loop3A_643] {strides = array<i32>} : memref<6x16x768xf32, #tpu.memory_space<vmem>>, vector<1x1x16xf32>,
        %parallel_loop3A_645 = vector.shape_cast %parallel_loop3A_644 : vector<1x1x16xf32> to vector<16xf32>
        %parallel_loop3A_646 = vector.shape_cast %parallel_loop3A_640 : vector<16xf32> to vector<1x1x16xf32>
        tpu.vector_store %arg8[%parallel_loop3A_641, %parallel_loop3A_642, %parallel_loop3A_643], %parallel_loop3A_646 {add = true, strides = array<i32>} : memref<6x16x768xf32, #tpu.memory_space<vmem>>, vector<1x1x16xf32>,
        %parallel_loop3A_647 = arith.constant 16 : i32
        %parallel_loop3A_648 = arith.muli %sub3A_281, %parallel_loop3A_647 : i32
        %parallel_loop3A_649 = arith.addi %parallel_loop3A_648, %parallel_loop3A_321 : i32
        %parallel_loop3A_650 = arith.index_cast %parallel_loop3A_649 : i32 to index
        %parallel_loop3A_651 = arith.constant 400 : index
        %parallel_loop3A_652 = tpu.vector_load %arg7[%parallel_loop3A_650, %parallel_loop3A_651] {strides = array<i32>} : memref<64x768xf32, #tpu.memory_space<vmem>>, vector<1x16xf32>,
        %parallel_loop3A_653 = vector.shape_cast %parallel_loop3A_652 : vector<1x16xf32> to vector<16xf32>
        %parallel_loop3A_654 = arith.index_cast %rem3A_261 : i32 to index
        %parallel_loop3A_655 = arith.index_cast %parallel_loop3A_321 : i32 to index
        %parallel_loop3A_656 = arith.constant 400 : index
        %parallel_loop3A_657 = tpu.vector_load %arg8[%parallel_loop3A_654, %parallel_loop3A_655, %parallel_loop3A_656] {strides = array<i32>} : memref<6x16x768xf32, #tpu.memory_space<vmem>>, vector<1x1x16xf32>,
        %parallel_loop3A_658 = vector.shape_cast %parallel_loop3A_657 : vector<1x1x16xf32> to vector<16xf32>
        %parallel_loop3A_659 = vector.shape_cast %parallel_loop3A_653 : vector<16xf32> to vector<1x1x16xf32>
        tpu.vector_store %arg8[%parallel_loop3A_654, %parallel_loop3A_655, %parallel_loop3A_656], %parallel_loop3A_659 {add = true, strides = array<i32>} : memref<6x16x768xf32, #tpu.memory_space<vmem>>, vector<1x1x16xf32>,
        %parallel_loop3A_660 = arith.constant 16 : i32
        %parallel_loop3A_661 = arith.muli %sub3A_281, %parallel_loop3A_660 : i32
        %parallel_loop3A_662 = arith.addi %parallel_loop3A_661, %parallel_loop3A_321 : i32
        %parallel_loop3A_663 = arith.index_cast %parallel_loop3A_662 : i32 to index
        %parallel_loop3A_664 = arith.constant 416 : index
        %parallel_loop3A_665 = tpu.vector_load %arg7[%parallel_loop3A_663, %parallel_loop3A_664] {strides = array<i32>} : memref<64x768xf32, #tpu.memory_space<vmem>>, vector<1x16xf32>,
        %parallel_loop3A_666 = vector.shape_cast %parallel_loop3A_665 : vector<1x16xf32> to vector<16xf32>
        %parallel_loop3A_667 = arith.index_cast %rem3A_261 : i32 to index
        %parallel_loop3A_668 = arith.index_cast %parallel_loop3A_321 : i32 to index
        %parallel_loop3A_669 = arith.constant 416 : index
        %parallel_loop3A_670 = tpu.vector_load %arg8[%parallel_loop3A_667, %parallel_loop3A_668, %parallel_loop3A_669] {strides = array<i32>} : memref<6x16x768xf32, #tpu.memory_space<vmem>>, vector<1x1x16xf32>,
        %parallel_loop3A_671 = vector.shape_cast %parallel_loop3A_670 : vector<1x1x16xf32> to vector<16xf32>
        %parallel_loop3A_672 = vector.shape_cast %parallel_loop3A_666 : vector<16xf32> to vector<1x1x16xf32>
        tpu.vector_store %arg8[%parallel_loop3A_667, %parallel_loop3A_668, %parallel_loop3A_669], %parallel_loop3A_672 {add = true, strides = array<i32>} : memref<6x16x768xf32, #tpu.memory_space<vmem>>, vector<1x1x16xf32>,
        %parallel_loop3A_673 = arith.constant 16 : i32
        %parallel_loop3A_674 = arith.muli %sub3A_281, %parallel_loop3A_673 : i32
        %parallel_loop3A_675 = arith.addi %parallel_loop3A_674, %parallel_loop3A_321 : i32
        %parallel_loop3A_676 = arith.index_cast %parallel_loop3A_675 : i32 to index
        %parallel_loop3A_677 = arith.constant 432 : index
        %parallel_loop3A_678 = tpu.vector_load %arg7[%parallel_loop3A_676, %parallel_loop3A_677] {strides = array<i32>} : memref<64x768xf32, #tpu.memory_space<vmem>>, vector<1x16xf32>,
        %parallel_loop3A_679 = vector.shape_cast %parallel_loop3A_678 : vector<1x16xf32> to vector<16xf32>
        %parallel_loop3A_680 = arith.index_cast %rem3A_261 : i32 to index
        %parallel_loop3A_681 = arith.index_cast %parallel_loop3A_321 : i32 to index
        %parallel_loop3A_682 = arith.constant 432 : index
        %parallel_loop3A_683 = tpu.vector_load %arg8[%parallel_loop3A_680, %parallel_loop3A_681, %parallel_loop3A_682] {strides = array<i32>} : memref<6x16x768xf32, #tpu.memory_space<vmem>>, vector<1x1x16xf32>,
        %parallel_loop3A_684 = vector.shape_cast %parallel_loop3A_683 : vector<1x1x16xf32> to vector<16xf32>
        %parallel_loop3A_685 = vector.shape_cast %parallel_loop3A_679 : vector<16xf32> to vector<1x1x16xf32>
        tpu.vector_store %arg8[%parallel_loop3A_680, %parallel_loop3A_681, %parallel_loop3A_682], %parallel_loop3A_685 {add = true, strides = array<i32>} : memref<6x16x768xf32, #tpu.memory_space<vmem>>, vector<1x1x16xf32>,
        %parallel_loop3A_686 = arith.constant 16 : i32
        %parallel_loop3A_687 = arith.muli %sub3A_281, %parallel_loop3A_686 : i32
        %parallel_loop3A_688 = arith.addi %parallel_loop3A_687, %parallel_loop3A_321 : i32
        %parallel_loop3A_689 = arith.index_cast %parallel_loop3A_688 : i32 to index
        %parallel_loop3A_690 = arith.constant 448 : index
        %parallel_loop3A_691 = tpu.vector_load %arg7[%parallel_loop3A_689, %parallel_loop3A_690] {strides = array<i32>} : memref<64x768xf32, #tpu.memory_space<vmem>>, vector<1x16xf32>,
        %parallel_loop3A_692 = vector.shape_cast %parallel_loop3A_691 : vector<1x16xf32> to vector<16xf32>
        %parallel_loop3A_693 = arith.index_cast %rem3A_261 : i32 to index
        %parallel_loop3A_694 = arith.index_cast %parallel_loop3A_321 : i32 to index
        %parallel_loop3A_695 = arith.constant 448 : index
        %parallel_loop3A_696 = tpu.vector_load %arg8[%parallel_loop3A_693, %parallel_loop3A_694, %parallel_loop3A_695] {strides = array<i32>} : memref<6x16x768xf32, #tpu.memory_space<vmem>>, vector<1x1x16xf32>,
        %parallel_loop3A_697 = vector.shape_cast %parallel_loop3A_696 : vector<1x1x16xf32> to vector<16xf32>
        %parallel_loop3A_698 = vector.shape_cast %parallel_loop3A_692 : vector<16xf32> to vector<1x1x16xf32>
        tpu.vector_store %arg8[%parallel_loop3A_693, %parallel_loop3A_694, %parallel_loop3A_695], %parallel_loop3A_698 {add = true, strides = array<i32>} : memref<6x16x768xf32, #tpu.memory_space<vmem>>, vector<1x1x16xf32>,
        %parallel_loop3A_699 = arith.constant 16 : i32
        %parallel_loop3A_700 = arith.muli %sub3A_281, %parallel_loop3A_699 : i32
        %parallel_loop3A_701 = arith.addi %parallel_loop3A_700, %parallel_loop3A_321 : i32
        %parallel_loop3A_702 = arith.index_cast %parallel_loop3A_701 : i32 to index
        %parallel_loop3A_703 = arith.constant 464 : index
        %parallel_loop3A_704 = tpu.vector_load %arg7[%parallel_loop3A_702, %parallel_loop3A_703] {strides = array<i32>} : memref<64x768xf32, #tpu.memory_space<vmem>>, vector<1x16xf32>,
        %parallel_loop3A_705 = vector.shape_cast %parallel_loop3A_704 : vector<1x16xf32> to vector<16xf32>
        %parallel_loop3A_706 = arith.index_cast %rem3A_261 : i32 to index
        %parallel_loop3A_707 = arith.index_cast %parallel_loop3A_321 : i32 to index
        %parallel_loop3A_708 = arith.constant 464 : index
        %parallel_loop3A_709 = tpu.vector_load %arg8[%parallel_loop3A_706, %parallel_loop3A_707, %parallel_loop3A_708] {strides = array<i32>} : memref<6x16x768xf32, #tpu.memory_space<vmem>>, vector<1x1x16xf32>,
        %parallel_loop3A_710 = vector.shape_cast %parallel_loop3A_709 : vector<1x1x16xf32> to vector<16xf32>
        %parallel_loop3A_711 = vector.shape_cast %parallel_loop3A_705 : vector<16xf32> to vector<1x1x16xf32>
        tpu.vector_store %arg8[%parallel_loop3A_706, %parallel_loop3A_707, %parallel_loop3A_708], %parallel_loop3A_711 {add = true, strides = array<i32>} : memref<6x16x768xf32, #tpu.memory_space<vmem>>, vector<1x1x16xf32>,
        %parallel_loop3A_712 = arith.constant 16 : i32
        %parallel_loop3A_713 = arith.muli %sub3A_281, %parallel_loop3A_712 : i32
        %parallel_loop3A_714 = arith.addi %parallel_loop3A_713, %parallel_loop3A_321 : i32
        %parallel_loop3A_715 = arith.index_cast %parallel_loop3A_714 : i32 to index
        %parallel_loop3A_716 = arith.constant 480 : index
        %parallel_loop3A_717 = tpu.vector_load %arg7[%parallel_loop3A_715, %parallel_loop3A_716] {strides = array<i32>} : memref<64x768xf32, #tpu.memory_space<vmem>>, vector<1x16xf32>,
        %parallel_loop3A_718 = vector.shape_cast %parallel_loop3A_717 : vector<1x16xf32> to vector<16xf32>
        %parallel_loop3A_719 = arith.index_cast %rem3A_261 : i32 to index
        %parallel_loop3A_720 = arith.index_cast %parallel_loop3A_321 : i32 to index
        %parallel_loop3A_721 = arith.constant 480 : index
        %parallel_loop3A_722 = tpu.vector_load %arg8[%parallel_loop3A_719, %parallel_loop3A_720, %parallel_loop3A_721] {strides = array<i32>} : memref<6x16x768xf32, #tpu.memory_space<vmem>>, vector<1x1x16xf32>,
        %parallel_loop3A_723 = vector.shape_cast %parallel_loop3A_722 : vector<1x1x16xf32> to vector<16xf32>
        %parallel_loop3A_724 = vector.shape_cast %parallel_loop3A_718 : vector<16xf32> to vector<1x1x16xf32>
        tpu.vector_store %arg8[%parallel_loop3A_719, %parallel_loop3A_720, %parallel_loop3A_721], %parallel_loop3A_724 {add = true, strides = array<i32>} : memref<6x16x768xf32, #tpu.memory_space<vmem>>, vector<1x1x16xf32>,
        %parallel_loop3A_725 = arith.constant 16 : i32
        %parallel_loop3A_726 = arith.muli %sub3A_281, %parallel_loop3A_725 : i32
        %parallel_loop3A_727 = arith.addi %parallel_loop3A_726, %parallel_loop3A_321 : i32
        %parallel_loop3A_728 = arith.index_cast %parallel_loop3A_727 : i32 to index
        %parallel_loop3A_729 = arith.constant 496 : index
        %parallel_loop3A_730 = tpu.vector_load %arg7[%parallel_loop3A_728, %parallel_loop3A_729] {strides = array<i32>} : memref<64x768xf32, #tpu.memory_space<vmem>>, vector<1x16xf32>,
        %parallel_loop3A_731 = vector.shape_cast %parallel_loop3A_730 : vector<1x16xf32> to vector<16xf32>
        %parallel_loop3A_732 = arith.index_cast %rem3A_261 : i32 to index
        %parallel_loop3A_733 = arith.index_cast %parallel_loop3A_321 : i32 to index
        %parallel_loop3A_734 = arith.constant 496 : index
        %parallel_loop3A_735 = tpu.vector_load %arg8[%parallel_loop3A_732, %parallel_loop3A_733, %parallel_loop3A_734] {strides = array<i32>} : memref<6x16x768xf32, #tpu.memory_space<vmem>>, vector<1x1x16xf32>,
        %parallel_loop3A_736 = vector.shape_cast %parallel_loop3A_735 : vector<1x1x16xf32> to vector<16xf32>
        %parallel_loop3A_737 = vector.shape_cast %parallel_loop3A_731 : vector<16xf32> to vector<1x1x16xf32>
        tpu.vector_store %arg8[%parallel_loop3A_732, %parallel_loop3A_733, %parallel_loop3A_734], %parallel_loop3A_737 {add = true, strides = array<i32>} : memref<6x16x768xf32, #tpu.memory_space<vmem>>, vector<1x1x16xf32>,
        %parallel_loop3A_738 = arith.constant 16 : i32
        %parallel_loop3A_739 = arith.muli %sub3A_281, %parallel_loop3A_738 : i32
        %parallel_loop3A_740 = arith.addi %parallel_loop3A_739, %parallel_loop3A_321 : i32
        %parallel_loop3A_741 = arith.index_cast %parallel_loop3A_740 : i32 to index
        %parallel_loop3A_742 = arith.constant 512 : index
        %parallel_loop3A_743 = tpu.vector_load %arg7[%parallel_loop3A_741, %parallel_loop3A_742] {strides = array<i32>} : memref<64x768xf32, #tpu.memory_space<vmem>>, vector<1x16xf32>,
        %parallel_loop3A_744 = vector.shape_cast %parallel_loop3A_743 : vector<1x16xf32> to vector<16xf32>
        %parallel_loop3A_745 = arith.index_cast %rem3A_261 : i32 to index
        %parallel_loop3A_746 = arith.index_cast %parallel_loop3A_321 : i32 to index
        %parallel_loop3A_747 = arith.constant 512 : index
        %parallel_loop3A_748 = tpu.vector_load %arg8[%parallel_loop3A_745, %parallel_loop3A_746, %parallel_loop3A_747] {strides = array<i32>} : memref<6x16x768xf32, #tpu.memory_space<vmem>>, vector<1x1x16xf32>,
        %parallel_loop3A_749 = vector.shape_cast %parallel_loop3A_748 : vector<1x1x16xf32> to vector<16xf32>
        %parallel_loop3A_750 = vector.shape_cast %parallel_loop3A_744 : vector<16xf32> to vector<1x1x16xf32>
        tpu.vector_store %arg8[%parallel_loop3A_745, %parallel_loop3A_746, %parallel_loop3A_747], %parallel_loop3A_750 {add = true, strides = array<i32>} : memref<6x16x768xf32, #tpu.memory_space<vmem>>, vector<1x1x16xf32>,
        %parallel_loop3A_751 = arith.constant 16 : i32
        %parallel_loop3A_752 = arith.muli %sub3A_281, %parallel_loop3A_751 : i32
        %parallel_loop3A_753 = arith.addi %parallel_loop3A_752, %parallel_loop3A_321 : i32
        %parallel_loop3A_754 = arith.index_cast %parallel_loop3A_753 : i32 to index
        %parallel_loop3A_755 = arith.constant 528 : index
        %parallel_loop3A_756 = tpu.vector_load %arg7[%parallel_loop3A_754, %parallel_loop3A_755] {strides = array<i32>} : memref<64x768xf32, #tpu.memory_space<vmem>>, vector<1x16xf32>,
        %parallel_loop3A_757 = vector.shape_cast %parallel_loop3A_756 : vector<1x16xf32> to vector<16xf32>
        %parallel_loop3A_758 = arith.index_cast %rem3A_261 : i32 to index
        %parallel_loop3A_759 = arith.index_cast %parallel_loop3A_321 : i32 to index
        %parallel_loop3A_760 = arith.constant 528 : index
        %parallel_loop3A_761 = tpu.vector_load %arg8[%parallel_loop3A_758, %parallel_loop3A_759, %parallel_loop3A_760] {strides = array<i32>} : memref<6x16x768xf32, #tpu.memory_space<vmem>>, vector<1x1x16xf32>,
        %parallel_loop3A_762 = vector.shape_cast %parallel_loop3A_761 : vector<1x1x16xf32> to vector<16xf32>
        %parallel_loop3A_763 = vector.shape_cast %parallel_loop3A_757 : vector<16xf32> to vector<1x1x16xf32>
        tpu.vector_store %arg8[%parallel_loop3A_758, %parallel_loop3A_759, %parallel_loop3A_760], %parallel_loop3A_763 {add = true, strides = array<i32>} : memref<6x16x768xf32, #tpu.memory_space<vmem>>, vector<1x1x16xf32>,
        %parallel_loop3A_764 = arith.constant 16 : i32
        %parallel_loop3A_765 = arith.muli %sub3A_281, %parallel_loop3A_764 : i32
        %parallel_loop3A_766 = arith.addi %parallel_loop3A_765, %parallel_loop3A_321 : i32
        %parallel_loop3A_767 = arith.index_cast %parallel_loop3A_766 : i32 to index
        %parallel_loop3A_768 = arith.constant 544 : index
        %parallel_loop3A_769 = tpu.vector_load %arg7[%parallel_loop3A_767, %parallel_loop3A_768] {strides = array<i32>} : memref<64x768xf32, #tpu.memory_space<vmem>>, vector<1x16xf32>,
        %parallel_loop3A_770 = vector.shape_cast %parallel_loop3A_769 : vector<1x16xf32> to vector<16xf32>
        %parallel_loop3A_771 = arith.index_cast %rem3A_261 : i32 to index
        %parallel_loop3A_772 = arith.index_cast %parallel_loop3A_321 : i32 to index
        %parallel_loop3A_773 = arith.constant 544 : index
        %parallel_loop3A_774 = tpu.vector_load %arg8[%parallel_loop3A_771, %parallel_loop3A_772, %parallel_loop3A_773] {strides = array<i32>} : memref<6x16x768xf32, #tpu.memory_space<vmem>>, vector<1x1x16xf32>,
        %parallel_loop3A_775 = vector.shape_cast %parallel_loop3A_774 : vector<1x1x16xf32> to vector<16xf32>
        %parallel_loop3A_776 = vector.shape_cast %parallel_loop3A_770 : vector<16xf32> to vector<1x1x16xf32>
        tpu.vector_store %arg8[%parallel_loop3A_771, %parallel_loop3A_772, %parallel_loop3A_773], %parallel_loop3A_776 {add = true, strides = array<i32>} : memref<6x16x768xf32, #tpu.memory_space<vmem>>, vector<1x1x16xf32>,
        %parallel_loop3A_777 = arith.constant 16 : i32
        %parallel_loop3A_778 = arith.muli %sub3A_281, %parallel_loop3A_777 : i32
        %parallel_loop3A_779 = arith.addi %parallel_loop3A_778, %parallel_loop3A_321 : i32
        %parallel_loop3A_780 = arith.index_cast %parallel_loop3A_779 : i32 to index
        %parallel_loop3A_781 = arith.constant 560 : index
        %parallel_loop3A_782 = tpu.vector_load %arg7[%parallel_loop3A_780, %parallel_loop3A_781] {strides = array<i32>} : memref<64x768xf32, #tpu.memory_space<vmem>>, vector<1x16xf32>,
        %parallel_loop3A_783 = vector.shape_cast %parallel_loop3A_782 : vector<1x16xf32> to vector<16xf32>
        %parallel_loop3A_784 = arith.index_cast %rem3A_261 : i32 to index
        %parallel_loop3A_785 = arith.index_cast %parallel_loop3A_321 : i32 to index
        %parallel_loop3A_786 = arith.constant 560 : index
        %parallel_loop3A_787 = tpu.vector_load %arg8[%parallel_loop3A_784, %parallel_loop3A_785, %parallel_loop3A_786] {strides = array<i32>} : memref<6x16x768xf32, #tpu.memory_space<vmem>>, vector<1x1x16xf32>,
        %parallel_loop3A_788 = vector.shape_cast %parallel_loop3A_787 : vector<1x1x16xf32> to vector<16xf32>
        %parallel_loop3A_789 = vector.shape_cast %parallel_loop3A_783 : vector<16xf32> to vector<1x1x16xf32>
        tpu.vector_store %arg8[%parallel_loop3A_784, %parallel_loop3A_785, %parallel_loop3A_786], %parallel_loop3A_789 {add = true, strides = array<i32>} : memref<6x16x768xf32, #tpu.memory_space<vmem>>, vector<1x1x16xf32>,
        %parallel_loop3A_790 = arith.constant 16 : i32
        %parallel_loop3A_791 = arith.muli %sub3A_281, %parallel_loop3A_790 : i32
        %parallel_loop3A_792 = arith.addi %parallel_loop3A_791, %parallel_loop3A_321 : i32
        %parallel_loop3A_793 = arith.index_cast %parallel_loop3A_792 : i32 to index
        %parallel_loop3A_794 = arith.constant 576 : index
        %parallel_loop3A_795 = tpu.vector_load %arg7[%parallel_loop3A_793, %parallel_loop3A_794] {strides = array<i32>} : memref<64x768xf32, #tpu.memory_space<vmem>>, vector<1x16xf32>,
        %parallel_loop3A_796 = vector.shape_cast %parallel_loop3A_795 : vector<1x16xf32> to vector<16xf32>
        %parallel_loop3A_797 = arith.index_cast %rem3A_261 : i32 to index
        %parallel_loop3A_798 = arith.index_cast %parallel_loop3A_321 : i32 to index
        %parallel_loop3A_799 = arith.constant 576 : index
        %parallel_loop3A_800 = tpu.vector_load %arg8[%parallel_loop3A_797, %parallel_loop3A_798, %parallel_loop3A_799] {strides = array<i32>} : memref<6x16x768xf32, #tpu.memory_space<vmem>>, vector<1x1x16xf32>,
        %parallel_loop3A_801 = vector.shape_cast %parallel_loop3A_800 : vector<1x1x16xf32> to vector<16xf32>
        %parallel_loop3A_802 = vector.shape_cast %parallel_loop3A_796 : vector<16xf32> to vector<1x1x16xf32>
        tpu.vector_store %arg8[%parallel_loop3A_797, %parallel_loop3A_798, %parallel_loop3A_799], %parallel_loop3A_802 {add = true, strides = array<i32>} : memref<6x16x768xf32, #tpu.memory_space<vmem>>, vector<1x1x16xf32>,
        %parallel_loop3A_803 = arith.constant 16 : i32
        %parallel_loop3A_804 = arith.muli %sub3A_281, %parallel_loop3A_803 : i32
        %parallel_loop3A_805 = arith.addi %parallel_loop3A_804, %parallel_loop3A_321 : i32
        %parallel_loop3A_806 = arith.index_cast %parallel_loop3A_805 : i32 to index
        %parallel_loop3A_807 = arith.constant 592 : index
        %parallel_loop3A_808 = tpu.vector_load %arg7[%parallel_loop3A_806, %parallel_loop3A_807] {strides = array<i32>} : memref<64x768xf32, #tpu.memory_space<vmem>>, vector<1x16xf32>,
        %parallel_loop3A_809 = vector.shape_cast %parallel_loop3A_808 : vector<1x16xf32> to vector<16xf32>
        %parallel_loop3A_810 = arith.index_cast %rem3A_261 : i32 to index
        %parallel_loop3A_811 = arith.index_cast %parallel_loop3A_321 : i32 to index
        %parallel_loop3A_812 = arith.constant 592 : index
        %parallel_loop3A_813 = tpu.vector_load %arg8[%parallel_loop3A_810, %parallel_loop3A_811, %parallel_loop3A_812] {strides = array<i32>} : memref<6x16x768xf32, #tpu.memory_space<vmem>>, vector<1x1x16xf32>,
        %parallel_loop3A_814 = vector.shape_cast %parallel_loop3A_813 : vector<1x1x16xf32> to vector<16xf32>
        %parallel_loop3A_815 = vector.shape_cast %parallel_loop3A_809 : vector<16xf32> to vector<1x1x16xf32>
        tpu.vector_store %arg8[%parallel_loop3A_810, %parallel_loop3A_811, %parallel_loop3A_812], %parallel_loop3A_815 {add = true, strides = array<i32>} : memref<6x16x768xf32, #tpu.memory_space<vmem>>, vector<1x1x16xf32>,
        %parallel_loop3A_816 = arith.constant 16 : i32
        %parallel_loop3A_817 = arith.muli %sub3A_281, %parallel_loop3A_816 : i32
        %parallel_loop3A_818 = arith.addi %parallel_loop3A_817, %parallel_loop3A_321 : i32
        %parallel_loop3A_819 = arith.index_cast %parallel_loop3A_818 : i32 to index
        %parallel_loop3A_820 = arith.constant 608 : index
        %parallel_loop3A_821 = tpu.vector_load %arg7[%parallel_loop3A_819, %parallel_loop3A_820] {strides = array<i32>} : memref<64x768xf32, #tpu.memory_space<vmem>>, vector<1x16xf32>,
        %parallel_loop3A_822 = vector.shape_cast %parallel_loop3A_821 : vector<1x16xf32> to vector<16xf32>
        %parallel_loop3A_823 = arith.index_cast %rem3A_261 : i32 to index
        %parallel_loop3A_824 = arith.index_cast %parallel_loop3A_321 : i32 to index
        %parallel_loop3A_825 = arith.constant 608 : index
        %parallel_loop3A_826 = tpu.vector_load %arg8[%parallel_loop3A_823, %parallel_loop3A_824, %parallel_loop3A_825] {strides = array<i32>} : memref<6x16x768xf32, #tpu.memory_space<vmem>>, vector<1x1x16xf32>,
        %parallel_loop3A_827 = vector.shape_cast %parallel_loop3A_826 : vector<1x1x16xf32> to vector<16xf32>
        %parallel_loop3A_828 = vector.shape_cast %parallel_loop3A_822 : vector<16xf32> to vector<1x1x16xf32>
        tpu.vector_store %arg8[%parallel_loop3A_823, %parallel_loop3A_824, %parallel_loop3A_825], %parallel_loop3A_828 {add = true, strides = array<i32>} : memref<6x16x768xf32, #tpu.memory_space<vmem>>, vector<1x1x16xf32>,
        %parallel_loop3A_829 = arith.constant 16 : i32
        %parallel_loop3A_830 = arith.muli %sub3A_281, %parallel_loop3A_829 : i32
        %parallel_loop3A_831 = arith.addi %parallel_loop3A_830, %parallel_loop3A_321 : i32
        %parallel_loop3A_832 = arith.index_cast %parallel_loop3A_831 : i32 to index
        %parallel_loop3A_833 = arith.constant 624 : index
        %parallel_loop3A_834 = tpu.vector_load %arg7[%parallel_loop3A_832, %parallel_loop3A_833] {strides = array<i32>} : memref<64x768xf32, #tpu.memory_space<vmem>>, vector<1x16xf32>,
        %parallel_loop3A_835 = vector.shape_cast %parallel_loop3A_834 : vector<1x16xf32> to vector<16xf32>
        %parallel_loop3A_836 = arith.index_cast %rem3A_261 : i32 to index
        %parallel_loop3A_837 = arith.index_cast %parallel_loop3A_321 : i32 to index
        %parallel_loop3A_838 = arith.constant 624 : index
        %parallel_loop3A_839 = tpu.vector_load %arg8[%parallel_loop3A_836, %parallel_loop3A_837, %parallel_loop3A_838] {strides = array<i32>} : memref<6x16x768xf32, #tpu.memory_space<vmem>>, vector<1x1x16xf32>,
        %parallel_loop3A_840 = vector.shape_cast %parallel_loop3A_839 : vector<1x1x16xf32> to vector<16xf32>
        %parallel_loop3A_841 = vector.shape_cast %parallel_loop3A_835 : vector<16xf32> to vector<1x1x16xf32>
        tpu.vector_store %arg8[%parallel_loop3A_836, %parallel_loop3A_837, %parallel_loop3A_838], %parallel_loop3A_841 {add = true, strides = array<i32>} : memref<6x16x768xf32, #tpu.memory_space<vmem>>, vector<1x1x16xf32>,
        %parallel_loop3A_842 = arith.constant 16 : i32
        %parallel_loop3A_843 = arith.muli %sub3A_281, %parallel_loop3A_842 : i32
        %parallel_loop3A_844 = arith.addi %parallel_loop3A_843, %parallel_loop3A_321 : i32
        %parallel_loop3A_845 = arith.index_cast %parallel_loop3A_844 : i32 to index
        %parallel_loop3A_846 = arith.constant 640 : index
        %parallel_loop3A_847 = tpu.vector_load %arg7[%parallel_loop3A_845, %parallel_loop3A_846] {strides = array<i32>} : memref<64x768xf32, #tpu.memory_space<vmem>>, vector<1x16xf32>,
        %parallel_loop3A_848 = vector.shape_cast %parallel_loop3A_847 : vector<1x16xf32> to vector<16xf32>
        %parallel_loop3A_849 = arith.index_cast %rem3A_261 : i32 to index
        %parallel_loop3A_850 = arith.index_cast %parallel_loop3A_321 : i32 to index
        %parallel_loop3A_851 = arith.constant 640 : index
        %parallel_loop3A_852 = tpu.vector_load %arg8[%parallel_loop3A_849, %parallel_loop3A_850, %parallel_loop3A_851] {strides = array<i32>} : memref<6x16x768xf32, #tpu.memory_space<vmem>>, vector<1x1x16xf32>,
        %parallel_loop3A_853 = vector.shape_cast %parallel_loop3A_852 : vector<1x1x16xf32> to vector<16xf32>
        %parallel_loop3A_854 = vector.shape_cast %parallel_loop3A_848 : vector<16xf32> to vector<1x1x16xf32>
        tpu.vector_store %arg8[%parallel_loop3A_849, %parallel_loop3A_850, %parallel_loop3A_851], %parallel_loop3A_854 {add = true, strides = array<i32>} : memref<6x16x768xf32, #tpu.memory_space<vmem>>, vector<1x1x16xf32>,
        %parallel_loop3A_855 = arith.constant 16 : i32
        %parallel_loop3A_856 = arith.muli %sub3A_281, %parallel_loop3A_855 : i32
        %parallel_loop3A_857 = arith.addi %parallel_loop3A_856, %parallel_loop3A_321 : i32
        %parallel_loop3A_858 = arith.index_cast %parallel_loop3A_857 : i32 to index
        %parallel_loop3A_859 = arith.constant 656 : index
        %parallel_loop3A_860 = tpu.vector_load %arg7[%parallel_loop3A_858, %parallel_loop3A_859] {strides = array<i32>} : memref<64x768xf32, #tpu.memory_space<vmem>>, vector<1x16xf32>,
        %parallel_loop3A_861 = vector.shape_cast %parallel_loop3A_860 : vector<1x16xf32> to vector<16xf32>
        %parallel_loop3A_862 = arith.index_cast %rem3A_261 : i32 to index
        %parallel_loop3A_863 = arith.index_cast %parallel_loop3A_321 : i32 to index
        %parallel_loop3A_864 = arith.constant 656 : index
        %parallel_loop3A_865 = tpu.vector_load %arg8[%parallel_loop3A_862, %parallel_loop3A_863, %parallel_loop3A_864] {strides = array<i32>} : memref<6x16x768xf32, #tpu.memory_space<vmem>>, vector<1x1x16xf32>,
        %parallel_loop3A_866 = vector.shape_cast %parallel_loop3A_865 : vector<1x1x16xf32> to vector<16xf32>
        %parallel_loop3A_867 = vector.shape_cast %parallel_loop3A_861 : vector<16xf32> to vector<1x1x16xf32>
        tpu.vector_store %arg8[%parallel_loop3A_862, %parallel_loop3A_863, %parallel_loop3A_864], %parallel_loop3A_867 {add = true, strides = array<i32>} : memref<6x16x768xf32, #tpu.memory_space<vmem>>, vector<1x1x16xf32>,
        %parallel_loop3A_868 = arith.constant 16 : i32
        %parallel_loop3A_869 = arith.muli %sub3A_281, %parallel_loop3A_868 : i32
        %parallel_loop3A_870 = arith.addi %parallel_loop3A_869, %parallel_loop3A_321 : i32
        %parallel_loop3A_871 = arith.index_cast %parallel_loop3A_870 : i32 to index
        %parallel_loop3A_872 = arith.constant 672 : index
        %parallel_loop3A_873 = tpu.vector_load %arg7[%parallel_loop3A_871, %parallel_loop3A_872] {strides = array<i32>} : memref<64x768xf32, #tpu.memory_space<vmem>>, vector<1x16xf32>,
        %parallel_loop3A_874 = vector.shape_cast %parallel_loop3A_873 : vector<1x16xf32> to vector<16xf32>
        %parallel_loop3A_875 = arith.index_cast %rem3A_261 : i32 to index
        %parallel_loop3A_876 = arith.index_cast %parallel_loop3A_321 : i32 to index
        %parallel_loop3A_877 = arith.constant 672 : index
        %parallel_loop3A_878 = tpu.vector_load %arg8[%parallel_loop3A_875, %parallel_loop3A_876, %parallel_loop3A_877] {strides = array<i32>} : memref<6x16x768xf32, #tpu.memory_space<vmem>>, vector<1x1x16xf32>,
        %parallel_loop3A_879 = vector.shape_cast %parallel_loop3A_878 : vector<1x1x16xf32> to vector<16xf32>
        %parallel_loop3A_880 = vector.shape_cast %parallel_loop3A_874 : vector<16xf32> to vector<1x1x16xf32>
        tpu.vector_store %arg8[%parallel_loop3A_875, %parallel_loop3A_876, %parallel_loop3A_877], %parallel_loop3A_880 {add = true, strides = array<i32>} : memref<6x16x768xf32, #tpu.memory_space<vmem>>, vector<1x1x16xf32>,
        %parallel_loop3A_881 = arith.constant 16 : i32
        %parallel_loop3A_882 = arith.muli %sub3A_281, %parallel_loop3A_881 : i32
        %parallel_loop3A_883 = arith.addi %parallel_loop3A_882, %parallel_loop3A_321 : i32
        %parallel_loop3A_884 = arith.index_cast %parallel_loop3A_883 : i32 to index
        %parallel_loop3A_885 = arith.constant 688 : index
        %parallel_loop3A_886 = tpu.vector_load %arg7[%parallel_loop3A_884, %parallel_loop3A_885] {strides = array<i32>} : memref<64x768xf32, #tpu.memory_space<vmem>>, vector<1x16xf32>,
        %parallel_loop3A_887 = vector.shape_cast %parallel_loop3A_886 : vector<1x16xf32> to vector<16xf32>
        %parallel_loop3A_888 = arith.index_cast %rem3A_261 : i32 to index
        %parallel_loop3A_889 = arith.index_cast %parallel_loop3A_321 : i32 to index
        %parallel_loop3A_890 = arith.constant 688 : index
        %parallel_loop3A_891 = tpu.vector_load %arg8[%parallel_loop3A_888, %parallel_loop3A_889, %parallel_loop3A_890] {strides = array<i32>} : memref<6x16x768xf32, #tpu.memory_space<vmem>>, vector<1x1x16xf32>,
        %parallel_loop3A_892 = vector.shape_cast %parallel_loop3A_891 : vector<1x1x16xf32> to vector<16xf32>
        %parallel_loop3A_893 = vector.shape_cast %parallel_loop3A_887 : vector<16xf32> to vector<1x1x16xf32>
        tpu.vector_store %arg8[%parallel_loop3A_888, %parallel_loop3A_889, %parallel_loop3A_890], %parallel_loop3A_893 {add = true, strides = array<i32>} : memref<6x16x768xf32, #tpu.memory_space<vmem>>, vector<1x1x16xf32>,
        %parallel_loop3A_894 = arith.constant 16 : i32
        %parallel_loop3A_895 = arith.muli %sub3A_281, %parallel_loop3A_894 : i32
        %parallel_loop3A_896 = arith.addi %parallel_loop3A_895, %parallel_loop3A_321 : i32
        %parallel_loop3A_897 = arith.index_cast %parallel_loop3A_896 : i32 to index
        %parallel_loop3A_898 = arith.constant 704 : index
        %parallel_loop3A_899 = tpu.vector_load %arg7[%parallel_loop3A_897, %parallel_loop3A_898] {strides = array<i32>} : memref<64x768xf32, #tpu.memory_space<vmem>>, vector<1x16xf32>,
        %parallel_loop3A_900 = vector.shape_cast %parallel_loop3A_899 : vector<1x16xf32> to vector<16xf32>
        %parallel_loop3A_901 = arith.index_cast %rem3A_261 : i32 to index
        %parallel_loop3A_902 = arith.index_cast %parallel_loop3A_321 : i32 to index
        %parallel_loop3A_903 = arith.constant 704 : index
        %parallel_loop3A_904 = tpu.vector_load %arg8[%parallel_loop3A_901, %parallel_loop3A_902, %parallel_loop3A_903] {strides = array<i32>} : memref<6x16x768xf32, #tpu.memory_space<vmem>>, vector<1x1x16xf32>,
        %parallel_loop3A_905 = vector.shape_cast %parallel_loop3A_904 : vector<1x1x16xf32> to vector<16xf32>
        %parallel_loop3A_906 = vector.shape_cast %parallel_loop3A_900 : vector<16xf32> to vector<1x1x16xf32>
        tpu.vector_store %arg8[%parallel_loop3A_901, %parallel_loop3A_902, %parallel_loop3A_903], %parallel_loop3A_906 {add = true, strides = array<i32>} : memref<6x16x768xf32, #tpu.memory_space<vmem>>, vector<1x1x16xf32>,
        %parallel_loop3A_907 = arith.constant 16 : i32
        %parallel_loop3A_908 = arith.muli %sub3A_281, %parallel_loop3A_907 : i32
        %parallel_loop3A_909 = arith.addi %parallel_loop3A_908, %parallel_loop3A_321 : i32
        %parallel_loop3A_910 = arith.index_cast %parallel_loop3A_909 : i32 to index
        %parallel_loop3A_911 = arith.constant 720 : index
        %parallel_loop3A_912 = tpu.vector_load %arg7[%parallel_loop3A_910, %parallel_loop3A_911] {strides = array<i32>} : memref<64x768xf32, #tpu.memory_space<vmem>>, vector<1x16xf32>,
        %parallel_loop3A_913 = vector.shape_cast %parallel_loop3A_912 : vector<1x16xf32> to vector<16xf32>
        %parallel_loop3A_914 = arith.index_cast %rem3A_261 : i32 to index
        %parallel_loop3A_915 = arith.index_cast %parallel_loop3A_321 : i32 to index
        %parallel_loop3A_916 = arith.constant 720 : index
        %parallel_loop3A_917 = tpu.vector_load %arg8[%parallel_loop3A_914, %parallel_loop3A_915, %parallel_loop3A_916] {strides = array<i32>} : memref<6x16x768xf32, #tpu.memory_space<vmem>>, vector<1x1x16xf32>,
        %parallel_loop3A_918 = vector.shape_cast %parallel_loop3A_917 : vector<1x1x16xf32> to vector<16xf32>
        %parallel_loop3A_919 = vector.shape_cast %parallel_loop3A_913 : vector<16xf32> to vector<1x1x16xf32>
        tpu.vector_store %arg8[%parallel_loop3A_914, %parallel_loop3A_915, %parallel_loop3A_916], %parallel_loop3A_919 {add = true, strides = array<i32>} : memref<6x16x768xf32, #tpu.memory_space<vmem>>, vector<1x1x16xf32>,
        %parallel_loop3A_920 = arith.constant 16 : i32
        %parallel_loop3A_921 = arith.muli %sub3A_281, %parallel_loop3A_920 : i32
        %parallel_loop3A_922 = arith.addi %parallel_loop3A_921, %parallel_loop3A_321 : i32
        %parallel_loop3A_923 = arith.index_cast %parallel_loop3A_922 : i32 to index
        %parallel_loop3A_924 = arith.constant 736 : index
        %parallel_loop3A_925 = tpu.vector_load %arg7[%parallel_loop3A_923, %parallel_loop3A_924] {strides = array<i32>} : memref<64x768xf32, #tpu.memory_space<vmem>>, vector<1x16xf32>,
        %parallel_loop3A_926 = vector.shape_cast %parallel_loop3A_925 : vector<1x16xf32> to vector<16xf32>
        %parallel_loop3A_927 = arith.index_cast %rem3A_261 : i32 to index
        %parallel_loop3A_928 = arith.index_cast %parallel_loop3A_321 : i32 to index
        %parallel_loop3A_929 = arith.constant 736 : index
        %parallel_loop3A_930 = tpu.vector_load %arg8[%parallel_loop3A_927, %parallel_loop3A_928, %parallel_loop3A_929] {strides = array<i32>} : memref<6x16x768xf32, #tpu.memory_space<vmem>>, vector<1x1x16xf32>,
        %parallel_loop3A_931 = vector.shape_cast %parallel_loop3A_930 : vector<1x1x16xf32> to vector<16xf32>
        %parallel_loop3A_932 = vector.shape_cast %parallel_loop3A_926 : vector<16xf32> to vector<1x1x16xf32>
        tpu.vector_store %arg8[%parallel_loop3A_927, %parallel_loop3A_928, %parallel_loop3A_929], %parallel_loop3A_932 {add = true, strides = array<i32>} : memref<6x16x768xf32, #tpu.memory_space<vmem>>, vector<1x1x16xf32>,
        %parallel_loop3A_933 = arith.constant 16 : i32
        %parallel_loop3A_934 = arith.muli %sub3A_281, %parallel_loop3A_933 : i32
        %parallel_loop3A_935 = arith.addi %parallel_loop3A_934, %parallel_loop3A_321 : i32
        %parallel_loop3A_936 = arith.index_cast %parallel_loop3A_935 : i32 to index
        %parallel_loop3A_937 = arith.constant 752 : index
        %parallel_loop3A_938 = tpu.vector_load %arg7[%parallel_loop3A_936, %parallel_loop3A_937] {strides = array<i32>} : memref<64x768xf32, #tpu.memory_space<vmem>>, vector<1x16xf32>,
        %parallel_loop3A_939 = vector.shape_cast %parallel_loop3A_938 : vector<1x16xf32> to vector<16xf32>
        %parallel_loop3A_940 = arith.index_cast %rem3A_261 : i32 to index
        %parallel_loop3A_941 = arith.index_cast %parallel_loop3A_321 : i32 to index
        %parallel_loop3A_942 = arith.constant 752 : index
        %parallel_loop3A_943 = tpu.vector_load %arg8[%parallel_loop3A_940, %parallel_loop3A_941, %parallel_loop3A_942] {strides = array<i32>} : memref<6x16x768xf32, #tpu.memory_space<vmem>>, vector<1x1x16xf32>,
        %parallel_loop3A_944 = vector.shape_cast %parallel_loop3A_943 : vector<1x1x16xf32> to vector<16xf32>
        %parallel_loop3A_945 = vector.shape_cast %parallel_loop3A_939 : vector<16xf32> to vector<1x1x16xf32>
        tpu.vector_store %arg8[%parallel_loop3A_940, %parallel_loop3A_941, %parallel_loop3A_942], %parallel_loop3A_945 {add = true, strides = array<i32>} : memref<6x16x768xf32, #tpu.memory_space<vmem>>, vector<1x1x16xf32>,
      } {sc.loop_unroll_factor = 1 : i64, sc.parallel_access}
      %mul3A_301 = arith.constant 16 : i32
      %mul3A_302 = arith.muli %sub3A_281, %mul3A_301 : i32
      %add3A_303 = arith.addi %mul3A_2, %mul3A_302 : i32
      %dma_start3A_304 = arith.constant 0 : i32
      %dma_start3A_305 = arith.constant 0 : i32
      %dma_start3A_306 = tpu.memref_slice %arg8[%rem3A_261, %dma_start3A_304, %dma_start3A_305] : memref<6x16x768xf32, #tpu.memory_space<vmem>> -> memref<1x16x768xf32, #tpu.memory_space<vmem>>
      %dma_start3A_307 = tpu.memref_squeeze %dma_start3A_306 : memref<1x16x768xf32, #tpu.memory_space<vmem>> -> memref<16x768xf32, #tpu.memory_space<vmem>>
      %dma_start3A_308 = arith.constant 0 : i32
      %dma_start3A_309 = tpu.memref_slice %arg5[%select_n3A, %add3A_303, %dma_start3A_308] : memref<4x2048x768xf32, #tpu.memory_space<hbm>> -> memref<1x16x768xf32, #tpu.memory_space<hbm>>
      %dma_start3A_310 = tpu.memref_squeeze %dma_start3A_309 : memref<1x16x768xf32, #tpu.memory_space<hbm>> -> memref<16x768xf32, #tpu.memory_space<hbm>>
      %dma_start3A_311 = tpu.memref_slice %arg10[%rem3A_261] : memref<6x!tpu.dma_semaphore, #tpu.memory_space<semaphore_mem>> -> memref<1x!tpu.dma_semaphore, #tpu.memory_space<semaphore_mem>>
      %dma_start3A_312 = tpu.memref_squeeze %dma_start3A_311 : memref<1x!tpu.dma_semaphore, #tpu.memory_space<semaphore_mem>> -> memref<!tpu.dma_semaphore, #tpu.memory_space<semaphore_mem>>
      %dma_start3A_313 = arith.constant 0 : i32
      %dma_start3A_314 = tpu.memref_slice %arg5[%select_n3A, %add3A_303, %dma_start3A_313] : memref<4x2048x768xf32, #tpu.memory_space<hbm>> -> memref<1x16x768xf32, #tpu.memory_space<hbm>>
      %dma_start3A_315 = tpu.memref_squeeze %dma_start3A_314 : memref<1x16x768xf32, #tpu.memory_space<hbm>> -> memref<16x768xf32, #tpu.memory_space<hbm>>
      %dma_start3A_316 = arith.constant 0 : i32
      %dma_start3A_317 = arith.constant 0 : i32
      %dma_start3A_318 = tpu.memref_slice %arg8[%rem3A_261, %dma_start3A_316, %dma_start3A_317] : memref<6x16x768xf32, #tpu.memory_space<vmem>> -> memref<1x16x768xf32, #tpu.memory_space<vmem>>
      %dma_start3A_319 = tpu.memref_squeeze %dma_start3A_318 : memref<1x16x768xf32, #tpu.memory_space<vmem>> -> memref<16x768xf32, #tpu.memory_space<vmem>>
      tpu.enqueue_dma source(%dma_start3A_319 : memref<16x768xf32, #tpu.memory_space<vmem>>) target(%dma_start3A_315 : memref<16x768xf32, #tpu.memory_space<hbm>>) target_semaphore(%dma_start3A_312 : memref<!tpu.dma_semaphore, #tpu.memory_space<semaphore_mem>>)
      %scan3A_320 = arith.constant 0 : i32
      scf.yield %scan3A_320 : i32
    }
    %scan3A_132 = arith.constant 16 : i32
    %dma_wait3A_133 = arith.constant 4 : i32
    %dma_wait3A_134 = arith.constant 0 : i32
    %dma_wait3A_135 = arith.constant 4 : i32
    %dma_wait3A_136 = arith.constant 0 : i32
    %dma_wait3A_137 = arith.constant 0 : i32
    %dma_wait3A_138 = tpu.memref_slice %arg8[%dma_wait3A_133, %dma_wait3A_136, %dma_wait3A_137] : memref<6x16x768xf32, #tpu.memory_space<vmem>> -> memref<1x16x768xf32, #tpu.memory_space<vmem>>
    %dma_wait3A_139 = tpu.memref_squeeze %dma_wait3A_138 : memref<1x16x768xf32, #tpu.memory_space<vmem>> -> memref<16x768xf32, #tpu.memory_space<vmem>>
    %dma_wait3A_140 = arith.constant 0 : i32
    %dma_wait3A_141 = arith.constant 0 : i32
    %dma_wait3A_142 = tpu.memref_slice %arg5[%dma_wait3A_134, %dma_wait3A_140, %dma_wait3A_141] : memref<4x2048x768xf32, #tpu.memory_space<hbm>> -> memref<1x16x768xf32, #tpu.memory_space<hbm>>
    %dma_wait3A_143 = tpu.memref_squeeze %dma_wait3A_142 : memref<1x16x768xf32, #tpu.memory_space<hbm>> -> memref<16x768xf32, #tpu.memory_space<hbm>>
    %dma_wait3A_144 = tpu.memref_slice %arg10[%dma_wait3A_135] : memref<6x!tpu.dma_semaphore, #tpu.memory_space<semaphore_mem>> -> memref<1x!tpu.dma_semaphore, #tpu.memory_space<semaphore_mem>>
    %dma_wait3A_145 = tpu.memref_squeeze %dma_wait3A_144 : memref<1x!tpu.dma_semaphore, #tpu.memory_space<semaphore_mem>> -> memref<!tpu.dma_semaphore, #tpu.memory_space<semaphore_mem>>
    %dma_wait3A_146 = arith.constant 0 : i32
    %dma_wait3A_147 = arith.constant 0 : i32
    %dma_wait3A_148 = tpu.memref_slice %arg5[%dma_wait3A_134, %dma_wait3A_146, %dma_wait3A_147] : memref<4x2048x768xf32, #tpu.memory_space<hbm>> -> memref<1x16x768xf32, #tpu.memory_space<hbm>>
    %dma_wait3A_149 = tpu.memref_squeeze %dma_wait3A_148 : memref<1x16x768xf32, #tpu.memory_space<hbm>> -> memref<16x768xf32, #tpu.memory_space<hbm>>
    %dma_wait3A_150 = arith.constant 0 : i32
    %dma_wait3A_151 = arith.constant 0 : i32
    %dma_wait3A_152 = tpu.memref_slice %arg8[%dma_wait3A_133, %dma_wait3A_150, %dma_wait3A_151] : memref<6x16x768xf32, #tpu.memory_space<vmem>> -> memref<1x16x768xf32, #tpu.memory_space<vmem>>
    %dma_wait3A_153 = tpu.memref_squeeze %dma_wait3A_152 : memref<1x16x768xf32, #tpu.memory_space<vmem>> -> memref<16x768xf32, #tpu.memory_space<vmem>>
    tpu.wait_dma2 semaphore(%dma_wait3A_145 : memref<!tpu.dma_semaphore, #tpu.memory_space<semaphore_mem>>) src(%dma_wait3A_153 : memref<16x768xf32, #tpu.memory_space<vmem>>) dst(%dma_wait3A_149 : memref<16x768xf32, #tpu.memory_space<hbm>>)
    %dma_wait3A_154 = arith.constant 5 : i32
    %dma_wait3A_155 = arith.constant 0 : i32
    %dma_wait3A_156 = arith.constant 5 : i32
    %dma_wait3A_157 = arith.constant 0 : i32
    %dma_wait3A_158 = arith.constant 0 : i32
    %dma_wait3A_159 = tpu.memref_slice %arg8[%dma_wait3A_154, %dma_wait3A_157, %dma_wait3A_158] : memref<6x16x768xf32, #tpu.memory_space<vmem>> -> memref<1x16x768xf32, #tpu.memory_space<vmem>>
    %dma_wait3A_160 = tpu.memref_squeeze %dma_wait3A_159 : memref<1x16x768xf32, #tpu.memory_space<vmem>> -> memref<16x768xf32, #tpu.memory_space<vmem>>
    %dma_wait3A_161 = arith.constant 0 : i32
    %dma_wait3A_162 = arith.constant 0 : i32
    %dma_wait3A_163 = tpu.memref_slice %arg5[%dma_wait3A_155, %dma_wait3A_161, %dma_wait3A_162] : memref<4x2048x768xf32, #tpu.memory_space<hbm>> -> memref<1x16x768xf32, #tpu.memory_space<hbm>>
    %dma_wait3A_164 = tpu.memref_squeeze %dma_wait3A_163 : memref<1x16x768xf32, #tpu.memory_space<hbm>> -> memref<16x768xf32, #tpu.memory_space<hbm>>
    %dma_wait3A_165 = tpu.memref_slice %arg10[%dma_wait3A_156] : memref<6x!tpu.dma_semaphore, #tpu.memory_space<semaphore_mem>> -> memref<1x!tpu.dma_semaphore, #tpu.memory_space<semaphore_mem>>
    %dma_wait3A_166 = tpu.memref_squeeze %dma_wait3A_165 : memref<1x!tpu.dma_semaphore, #tpu.memory_space<semaphore_mem>> -> memref<!tpu.dma_semaphore, #tpu.memory_space<semaphore_mem>>
    %dma_wait3A_167 = arith.constant 0 : i32
    %dma_wait3A_168 = arith.constant 0 : i32
    %dma_wait3A_169 = tpu.memref_slice %arg5[%dma_wait3A_155, %dma_wait3A_167, %dma_wait3A_168] : memref<4x2048x768xf32, #tpu.memory_space<hbm>> -> memref<1x16x768xf32, #tpu.memory_space<hbm>>
    %dma_wait3A_170 = tpu.memref_squeeze %dma_wait3A_169 : memref<1x16x768xf32, #tpu.memory_space<hbm>> -> memref<16x768xf32, #tpu.memory_space<hbm>>
    %dma_wait3A_171 = arith.constant 0 : i32
    %dma_wait3A_172 = arith.constant 0 : i32
    %dma_wait3A_173 = tpu.memref_slice %arg8[%dma_wait3A_154, %dma_wait3A_171, %dma_wait3A_172] : memref<6x16x768xf32, #tpu.memory_space<vmem>> -> memref<1x16x768xf32, #tpu.memory_space<vmem>>
    %dma_wait3A_174 = tpu.memref_squeeze %dma_wait3A_173 : memref<1x16x768xf32, #tpu.memory_space<vmem>> -> memref<16x768xf32, #tpu.memory_space<vmem>>
    tpu.wait_dma2 semaphore(%dma_wait3A_166 : memref<!tpu.dma_semaphore, #tpu.memory_space<semaphore_mem>>) src(%dma_wait3A_174 : memref<16x768xf32, #tpu.memory_space<vmem>>) dst(%dma_wait3A_170 : memref<16x768xf32, #tpu.memory_space<hbm>>)
    %dma_wait3A_175 = arith.constant 0 : i32
    %dma_wait3A_176 = arith.constant 0 : i32
    %dma_wait3A_177 = arith.constant 0 : i32
    %dma_wait3A_178 = arith.constant 0 : i32
    %dma_wait3A_179 = arith.constant 0 : i32
    %dma_wait3A_180 = tpu.memref_slice %arg8[%dma_wait3A_175, %dma_wait3A_178, %dma_wait3A_179] : memref<6x16x768xf32, #tpu.memory_space<vmem>> -> memref<1x16x768xf32, #tpu.memory_space<vmem>>
    %dma_wait3A_181 = tpu.memref_squeeze %dma_wait3A_180 : memref<1x16x768xf32, #tpu.memory_space<vmem>> -> memref<16x768xf32, #tpu.memory_space<vmem>>
    %dma_wait3A_182 = arith.constant 0 : i32
    %dma_wait3A_183 = arith.constant 0 : i32
    %dma_wait3A_184 = tpu.memref_slice %arg5[%dma_wait3A_176, %dma_wait3A_182, %dma_wait3A_183] : memref<4x2048x768xf32, #tpu.memory_space<hbm>> -> memref<1x16x768xf32, #tpu.memory_space<hbm>>
    %dma_wait3A_185 = tpu.memref_squeeze %dma_wait3A_184 : memref<1x16x768xf32, #tpu.memory_space<hbm>> -> memref<16x768xf32, #tpu.memory_space<hbm>>
    %dma_wait3A_186 = tpu.memref_slice %arg10[%dma_wait3A_177] : memref<6x!tpu.dma_semaphore, #tpu.memory_space<semaphore_mem>> -> memref<1x!tpu.dma_semaphore, #tpu.memory_space<semaphore_mem>>
    %dma_wait3A_187 = tpu.memref_squeeze %dma_wait3A_186 : memref<1x!tpu.dma_semaphore, #tpu.memory_space<semaphore_mem>> -> memref<!tpu.dma_semaphore, #tpu.memory_space<semaphore_mem>>
    %dma_wait3A_188 = arith.constant 0 : i32
    %dma_wait3A_189 = arith.constant 0 : i32
    %dma_wait3A_190 = tpu.memref_slice %arg5[%dma_wait3A_176, %dma_wait3A_188, %dma_wait3A_189] : memref<4x2048x768xf32, #tpu.memory_space<hbm>> -> memref<1x16x768xf32, #tpu.memory_space<hbm>>
    %dma_wait3A_191 = tpu.memref_squeeze %dma_wait3A_190 : memref<1x16x768xf32, #tpu.memory_space<hbm>> -> memref<16x768xf32, #tpu.memory_space<hbm>>
    %dma_wait3A_192 = arith.constant 0 : i32
    %dma_wait3A_193 = arith.constant 0 : i32
    %dma_wait3A_194 = tpu.memref_slice %arg8[%dma_wait3A_175, %dma_wait3A_192, %dma_wait3A_193] : memref<6x16x768xf32, #tpu.memory_space<vmem>> -> memref<1x16x768xf32, #tpu.memory_space<vmem>>
    %dma_wait3A_195 = tpu.memref_squeeze %dma_wait3A_194 : memref<1x16x768xf32, #tpu.memory_space<vmem>> -> memref<16x768xf32, #tpu.memory_space<vmem>>
    tpu.wait_dma2 semaphore(%dma_wait3A_187 : memref<!tpu.dma_semaphore, #tpu.memory_space<semaphore_mem>>) src(%dma_wait3A_195 : memref<16x768xf32, #tpu.memory_space<vmem>>) dst(%dma_wait3A_191 : memref<16x768xf32, #tpu.memory_space<hbm>>)
    %dma_wait3A_196 = arith.constant 1 : i32
    %dma_wait3A_197 = arith.constant 0 : i32
    %dma_wait3A_198 = arith.constant 1 : i32
    %dma_wait3A_199 = arith.constant 0 : i32
    %dma_wait3A_200 = arith.constant 0 : i32
    %dma_wait3A_201 = tpu.memref_slice %arg8[%dma_wait3A_196, %dma_wait3A_199, %dma_wait3A_200] : memref<6x16x768xf32, #tpu.memory_space<vmem>> -> memref<1x16x768xf32, #tpu.memory_space<vmem>>
    %dma_wait3A_202 = tpu.memref_squeeze %dma_wait3A_201 : memref<1x16x768xf32, #tpu.memory_space<vmem>> -> memref<16x768xf32, #tpu.memory_space<vmem>>
    %dma_wait3A_203 = arith.constant 0 : i32
    %dma_wait3A_204 = arith.constant 0 : i32
    %dma_wait3A_205 = tpu.memref_slice %arg5[%dma_wait3A_197, %dma_wait3A_203, %dma_wait3A_204] : memref<4x2048x768xf32, #tpu.memory_space<hbm>> -> memref<1x16x768xf32, #tpu.memory_space<hbm>>
    %dma_wait3A_206 = tpu.memref_squeeze %dma_wait3A_205 : memref<1x16x768xf32, #tpu.memory_space<hbm>> -> memref<16x768xf32, #tpu.memory_space<hbm>>
    %dma_wait3A_207 = tpu.memref_slice %arg10[%dma_wait3A_198] : memref<6x!tpu.dma_semaphore, #tpu.memory_space<semaphore_mem>> -> memref<1x!tpu.dma_semaphore, #tpu.memory_space<semaphore_mem>>
    %dma_wait3A_208 = tpu.memref_squeeze %dma_wait3A_207 : memref<1x!tpu.dma_semaphore, #tpu.memory_space<semaphore_mem>> -> memref<!tpu.dma_semaphore, #tpu.memory_space<semaphore_mem>>
    %dma_wait3A_209 = arith.constant 0 : i32
    %dma_wait3A_210 = arith.constant 0 : i32
    %dma_wait3A_211 = tpu.memref_slice %arg5[%dma_wait3A_197, %dma_wait3A_209, %dma_wait3A_210] : memref<4x2048x768xf32, #tpu.memory_space<hbm>> -> memref<1x16x768xf32, #tpu.memory_space<hbm>>
    %dma_wait3A_212 = tpu.memref_squeeze %dma_wait3A_211 : memref<1x16x768xf32, #tpu.memory_space<hbm>> -> memref<16x768xf32, #tpu.memory_space<hbm>>
    %dma_wait3A_213 = arith.constant 0 : i32
    %dma_wait3A_214 = arith.constant 0 : i32
    %dma_wait3A_215 = tpu.memref_slice %arg8[%dma_wait3A_196, %dma_wait3A_213, %dma_wait3A_214] : memref<6x16x768xf32, #tpu.memory_space<vmem>> -> memref<1x16x768xf32, #tpu.memory_space<vmem>>
    %dma_wait3A_216 = tpu.memref_squeeze %dma_wait3A_215 : memref<1x16x768xf32, #tpu.memory_space<vmem>> -> memref<16x768xf32, #tpu.memory_space<vmem>>
    tpu.wait_dma2 semaphore(%dma_wait3A_208 : memref<!tpu.dma_semaphore, #tpu.memory_space<semaphore_mem>>) src(%dma_wait3A_216 : memref<16x768xf32, #tpu.memory_space<vmem>>) dst(%dma_wait3A_212 : memref<16x768xf32, #tpu.memory_space<hbm>>)
    %dma_wait3A_217 = arith.constant 2 : i32
    %dma_wait3A_218 = arith.constant 0 : i32
    %dma_wait3A_219 = arith.constant 2 : i32
    %dma_wait3A_220 = arith.constant 0 : i32
    %dma_wait3A_221 = arith.constant 0 : i32
    %dma_wait3A_222 = tpu.memref_slice %arg8[%dma_wait3A_217, %dma_wait3A_220, %dma_wait3A_221] : memref<6x16x768xf32, #tpu.memory_space<vmem>> -> memref<1x16x768xf32, #tpu.memory_space<vmem>>
    %dma_wait3A_223 = tpu.memref_squeeze %dma_wait3A_222 : memref<1x16x768xf32, #tpu.memory_space<vmem>> -> memref<16x768xf32, #tpu.memory_space<vmem>>
    %dma_wait3A_224 = arith.constant 0 : i32
    %dma_wait3A_225 = arith.constant 0 : i32
    %dma_wait3A_226 = tpu.memref_slice %arg5[%dma_wait3A_218, %dma_wait3A_224, %dma_wait3A_225] : memref<4x2048x768xf32, #tpu.memory_space<hbm>> -> memref<1x16x768xf32, #tpu.memory_space<hbm>>
    %dma_wait3A_227 = tpu.memref_squeeze %dma_wait3A_226 : memref<1x16x768xf32, #tpu.memory_space<hbm>> -> memref<16x768xf32, #tpu.memory_space<hbm>>
    %dma_wait3A_228 = tpu.memref_slice %arg10[%dma_wait3A_219] : memref<6x!tpu.dma_semaphore, #tpu.memory_space<semaphore_mem>> -> memref<1x!tpu.dma_semaphore, #tpu.memory_space<semaphore_mem>>
    %dma_wait3A_229 = tpu.memref_squeeze %dma_wait3A_228 : memref<1x!tpu.dma_semaphore, #tpu.memory_space<semaphore_mem>> -> memref<!tpu.dma_semaphore, #tpu.memory_space<semaphore_mem>>
    %dma_wait3A_230 = arith.constant 0 : i32
    %dma_wait3A_231 = arith.constant 0 : i32
    %dma_wait3A_232 = tpu.memref_slice %arg5[%dma_wait3A_218, %dma_wait3A_230, %dma_wait3A_231] : memref<4x2048x768xf32, #tpu.memory_space<hbm>> -> memref<1x16x768xf32, #tpu.memory_space<hbm>>
    %dma_wait3A_233 = tpu.memref_squeeze %dma_wait3A_232 : memref<1x16x768xf32, #tpu.memory_space<hbm>> -> memref<16x768xf32, #tpu.memory_space<hbm>>
    %dma_wait3A_234 = arith.constant 0 : i32
    %dma_wait3A_235 = arith.constant 0 : i32
    %dma_wait3A_236 = tpu.memref_slice %arg8[%dma_wait3A_217, %dma_wait3A_234, %dma_wait3A_235] : memref<6x16x768xf32, #tpu.memory_space<vmem>> -> memref<1x16x768xf32, #tpu.memory_space<vmem>>
    %dma_wait3A_237 = tpu.memref_squeeze %dma_wait3A_236 : memref<1x16x768xf32, #tpu.memory_space<vmem>> -> memref<16x768xf32, #tpu.memory_space<vmem>>
    tpu.wait_dma2 semaphore(%dma_wait3A_229 : memref<!tpu.dma_semaphore, #tpu.memory_space<semaphore_mem>>) src(%dma_wait3A_237 : memref<16x768xf32, #tpu.memory_space<vmem>>) dst(%dma_wait3A_233 : memref<16x768xf32, #tpu.memory_space<hbm>>)
    %dma_wait3A_238 = arith.constant 3 : i32
    %dma_wait3A_239 = arith.constant 0 : i32
    %dma_wait3A_240 = arith.constant 3 : i32
    %dma_wait3A_241 = arith.constant 0 : i32
    %dma_wait3A_242 = arith.constant 0 : i32
    %dma_wait3A_243 = tpu.memref_slice %arg8[%dma_wait3A_238, %dma_wait3A_241, %dma_wait3A_242] : memref<6x16x768xf32, #tpu.memory_space<vmem>> -> memref<1x16x768xf32, #tpu.memory_space<vmem>>
    %dma_wait3A_244 = tpu.memref_squeeze %dma_wait3A_243 : memref<1x16x768xf32, #tpu.memory_space<vmem>> -> memref<16x768xf32, #tpu.memory_space<vmem>>
    %dma_wait3A_245 = arith.constant 0 : i32
    %dma_wait3A_246 = arith.constant 0 : i32
    %dma_wait3A_247 = tpu.memref_slice %arg5[%dma_wait3A_239, %dma_wait3A_245, %dma_wait3A_246] : memref<4x2048x768xf32, #tpu.memory_space<hbm>> -> memref<1x16x768xf32, #tpu.memory_space<hbm>>
    %dma_wait3A_248 = tpu.memref_squeeze %dma_wait3A_247 : memref<1x16x768xf32, #tpu.memory_space<hbm>> -> memref<16x768xf32, #tpu.memory_space<hbm>>
    %dma_wait3A_249 = tpu.memref_slice %arg10[%dma_wait3A_240] : memref<6x!tpu.dma_semaphore, #tpu.memory_space<semaphore_mem>> -> memref<1x!tpu.dma_semaphore, #tpu.memory_space<semaphore_mem>>
    %dma_wait3A_250 = tpu.memref_squeeze %dma_wait3A_249 : memref<1x!tpu.dma_semaphore, #tpu.memory_space<semaphore_mem>> -> memref<!tpu.dma_semaphore, #tpu.memory_space<semaphore_mem>>
    %dma_wait3A_251 = arith.constant 0 : i32
    %dma_wait3A_252 = arith.constant 0 : i32
    %dma_wait3A_253 = tpu.memref_slice %arg5[%dma_wait3A_239, %dma_wait3A_251, %dma_wait3A_252] : memref<4x2048x768xf32, #tpu.memory_space<hbm>> -> memref<1x16x768xf32, #tpu.memory_space<hbm>>
    %dma_wait3A_254 = tpu.memref_squeeze %dma_wait3A_253 : memref<1x16x768xf32, #tpu.memory_space<hbm>> -> memref<16x768xf32, #tpu.memory_space<hbm>>
    %dma_wait3A_255 = arith.constant 0 : i32
    %dma_wait3A_256 = arith.constant 0 : i32
    %dma_wait3A_257 = tpu.memref_slice %arg8[%dma_wait3A_238, %dma_wait3A_255, %dma_wait3A_256] : memref<6x16x768xf32, #tpu.memory_space<vmem>> -> memref<1x16x768xf32, #tpu.memory_space<vmem>>
    %dma_wait3A_258 = tpu.memref_squeeze %dma_wait3A_257 : memref<1x16x768xf32, #tpu.memory_space<vmem>> -> memref<16x768xf32, #tpu.memory_space<vmem>>
    tpu.wait_dma2 semaphore(%dma_wait3A_250 : memref<!tpu.dma_semaphore, #tpu.memory_space<semaphore_mem>>) src(%dma_wait3A_258 : memref<16x768xf32, #tpu.memory_space<vmem>>) dst(%dma_wait3A_254 : memref<16x768xf32, #tpu.memory_space<hbm>>)
    return
  }
}

</mosaic_0001>

<sc_bundles>
// kernel: kernel.3.cloned.1.call-start
scs
__scs_entry_jumppad:
0x0: {  	(pc) =	sbr.rel $0x88, $3  }
0x1: {  	(tag) =	ssettag $0x0;
	lr =	simm.s32 $0x1  }
0x2: {  	[smem:$0x3F9E] =	sst lr;
	_ =	strace $0xD0000000  }
0x3: {  	_ = 	snop  }
0x4: {  	_ = 	snop  }
0x5: {  	_ = 	snop  }
0x6: {  	_ = 	snop  }
0x7: {  	_ = 	snop  }
__scs_overlays_trampoline_lowered:
0x8: {  	[smem:$0x3FAD] =	sst s0  }
0x9: {  	[smem:$0x3FAE] =	sst s1  }
0xa: {  	[smem:$0x3FAF] =	sst s2  }
0xb: {  	[smem:$0x3FB0] =	sst s3  }
0xc: {  	[smem:$0x3FB1] =	sst s4  }
0xd: {  	[smem:$0x3FB2] =	sst s5  }
0xe: {  	[smem:$0x3FB3] =	sst s6  }
0xf: {  	[smem:$0x3FB4] =	sst s7  }
0x10: {  	[smem:$0x3FB5] =	sst s8  }
0x11: {  	[smem:$0x3FB6] =	sst s9;
	s0 =	simm.s32 @!p0 $0x0  }
0x12: {  	s1 =	sld [smem:$0x3F9C];
	s0 =	simm.s32 @p0 $0x1  }
0x13: {  	[smem:$0x3FB7] =	sst s0;
	s0 =	simm.s32 @!p1 $0x0  }
0x14: {  	s2 =	sld [smem:$0x3F9B];
	s0 =	simm.s32 @p1 $0x1  }
0x15: {  	[smem:$0x3FB8] =	sst s0;
	s0 =	simm.s32 @!p2 $0x0  }
0x16: {  	s3 =	sld [smem:$0x3FDB];
	s0 =	simm.s32 @p2 $0x1  }
0x17: {  	s4 =	simm.s32 $0x1BF5;
	[smem:$0x3FBA] =	sst s0  }
0x18: {  	s0 =	sld [smem:$0x3F9D];
	_ =	swait.ge [sflag:s4], $0x0  }
0x19: {  	s7 =	sld [smem:$0x3F9E]  }
0x1a: {  	s8 =	sadd.s32 $0xFFFFE003, lr  }
0x1b: {  	s9 =	sadd.s32 $0xFFFFFEF7, lr;
	s5 =	simm.s32 $0xFFFFFFFF;
	p2 =	slt.u32 s8, $0xFFFFF086  }
0x1c: {  	p1 =	slt.u32 s9, $0xF7A;
	s5 =	simm.s32 @!p2 $0x0  }
0x1d: {  	s5 =	simm.s32 @p1 $0x1;
	p0 =	seq.s32 s7, s2  }
0x1e: {  	s7 =	smul.u32 @!p0 $0xF7A, s2;
	p2 =	seq.s32 @!p0 s5, $0x0  }
0x1f: {  	s9 =	smul.u32 $0xF7A, s1;
	s8 =	simm.s32 @!p0 $0x1BF5;
	p2 =	por !p2, p0  }
0x20: {  	[sflag:s8] =	ssyncset.s32 @!p0 $0xFFFFF086;
	s6 =	sadd.s32 @!p0 s3, s7;
	s7 =	simm.s32 @!p0 $0x108  }
0x21: {  	s3 =	sadd.s32 s3, s9;
	s6 =	sadd.s32 @!p0 $0x88, s6;
	s7 =	simm.s32 @p2 $0x1082  }
0x22: {  	[simem:s7], [sflag:s8] =	dma.local @!p0 [hbm:s6], $0xF7A  }
0x23: {  	s9 =	sor.u32 $0xD0000000, s2;
	s6 =	simm.s32 $0x108;
	_ =	swait.ge @!p0 [sflag:s8], $0x0  }
0x24: {  	s3 =	sadd.s32 $0x88, s3;
	s6 =	simm.s32 @!p1 $0x1082;
	[sflag:s4] =	ssyncset.s32 $0xFFFFF086  }
0x25: {  	[simem:s6], [sflag:s4] =	dma.local [hbm:s3], $0xF7A  }
0x26: {  	[smem:$0x3F9E] =	sst s1;
	(tag) =	ssettag s2;
	_ =	strace s9  }
0x27: {  	s1 =	sld [smem:$0x3FAE]  }
0x28: {  	s2 =	sld [smem:$0x3FAF]  }
0x29: {  	s4 =	sld [smem:$0x3FB1]  }
0x2a: {  	p0 =	seq.s32 s5, $0x0;
	s5 =	sld [smem:$0x3FB2]  }
0x2b: {  	s6 =	sld [smem:$0x3FB3]  }
0x2c: {  	s7 =	sld [smem:$0x3FB4]  }
0x2d: {  	s3 =	simm.s32 $0x108;
	s8 =	sld [smem:$0x3FB5]  }
0x2e: {  	s3 =	simm.s32 @!p0 $0x1082;
	s9 =	sld [smem:$0x3FB6]  }
0x2f: {  	lr =	sadd.s32 s0, s3;
	s0 =	sld [smem:$0x3FAD]  }
0x30: {  	s3 =	sld [smem:$0x3FB0]  }
0x31: {  	[smem:$0x3FB9] =	sst s10  }
0x32: {  	s10 =	sld [smem:$0x3FB7];
	_ =	sdelay $0x3  }
0x33: {  	p0 =	seq.s32 s10, $0x1;
	s10 =	sld [smem:$0x3FB9];
	_ =	sdelay $0x3  }
0x34: {  	[smem:$0x3FB9] =	sst s10  }
0x35: {  	s10 =	sld [smem:$0x3FB8];
	_ =	sdelay $0x3  }
0x36: {  	p1 =	seq.s32 s10, $0x1;
	s10 =	sld [smem:$0x3FB9];
	_ =	sdelay $0x3  }
0x37: {  	[smem:$0x3FB9] =	sst s10  }
0x38: {  	s10 =	sld [smem:$0x3FBA]  }
0x39: {  	_ = 	snop;
	(pc) =	sbr.ind lr, $3  }
0x3a: {  	_ = 	snop  }
0x3b: {  	_ = 	snop  }
0x3c: {  	p2 =	seq.s32 s10, $0x1;
	s10 =	sld [smem:$0x3FB9]  }
0x3d: {  	_ =	shalt  }
0x3e: {  	_ =	shalt  }
0x3f: {  	_ =	shalt  }
0x40: {  	_ =	shalt  }
0x41: {  	_ =	shalt  }
0x42: {  	_ =	shalt  }
0x43: {  	_ =	shalt  }
0x44: {  	_ =	shalt  }
0x45: {  	_ =	shalt  }
0x46: {  	_ =	shalt  }
0x47: {  	_ =	shalt  }
0x48: {  	_ =	shalt  }
0x49: {  	_ =	shalt  }
0x4a: {  	_ =	shalt  }
0x4b: {  	_ =	shalt  }
0x4c: {  	_ =	shalt  }
0x4d: {  	_ =	shalt  }
0x4e: {  	_ =	shalt  }
0x4f: {  	_ =	shalt  }
0x50: {  	_ =	shalt  }
0x51: {  	_ =	shalt  }
0x52: {  	_ =	shalt  }
0x53: {  	_ =	shalt  }
0x54: {  	_ =	shalt  }
0x55: {  	_ =	shalt  }
0x56: {  	_ =	shalt  }
0x57: {  	_ =	shalt  }
0x58: {  	_ =	shalt  }
0x59: {  	_ =	shalt  }
0x5a: {  	_ =	shalt  }
0x5b: {  	_ =	shalt  }
0x5c: {  	_ =	shalt  }
0x5d: {  	_ =	shalt  }
0x5e: {  	_ =	shalt  }
0x5f: {  	_ =	shalt  }
0x60: {  	_ =	shalt  }
0x61: {  	_ =	shalt  }
0x62: {  	_ =	shalt  }
0x63: {  	_ =	shalt  }
0x64: {  	_ =	shalt  }
0x65: {  	_ =	shalt  }
0x66: {  	_ =	shalt  }
0x67: {  	_ =	shalt  }
0x68: {  	_ =	shalt  }
0x69: {  	_ =	shalt  }
0x6a: {  	_ =	shalt  }
0x6b: {  	_ =	shalt  }
0x6c: {  	_ =	shalt  }
0x6d: {  	_ =	shalt  }
0x6e: {  	_ =	shalt  }
0x6f: {  	_ =	shalt  }
0x70: {  	_ =	shalt  }
0x71: {  	_ =	shalt  }
0x72: {  	_ =	shalt  }
0x73: {  	_ =	shalt  }
0x74: {  	_ =	shalt  }
0x75: {  	_ =	shalt  }
0x76: {  	_ =	shalt  }
0x77: {  	_ =	shalt  }
0x78: {  	_ =	shalt  }
0x79: {  	_ =	shalt  }
0x7a: {  	_ =	shalt  }
0x7b: {  	_ =	shalt  }
0x7c: {  	_ =	shalt  }
0x7d: {  	_ =	shalt  }
0x7e: {  	_ =	shalt  }
0x7f: {  	_ =	shalt  }
0x80: {  	_ =	shalt  }
0x81: {  	_ =	shalt  }
0x82: {  	_ =	shalt  }
0x83: {  	_ =	shalt  }
0x84: {  	_ =	shalt  }
0x85: {  	_ =	shalt  }
0x86: {  	_ =	shalt  }
0x87: {  	_ =	shalt  }
.Lfunc_end0:
.L_simem_size_0:
called_computation_lowered:
.L_overlay_start_0:
0x88: {  	s2 =	sld [smem:$0x3FD9]  }
0x89: {  	s3 =	sld [smem:$0x3FFE];
	_ =	sdelay $0x1  }
0x8a: {  	s1 =	srdreg.scid  }
0x8b: {  	s0 =	sand.u32 $0x1, s1  }
0x8c: {  	s18 =	sshll.u32 s0, $0xA;
	s2 =	sadd.s32 s3, s2  }
0x8d: {  	s2 =	sadd.s32 s2, s18  }
0x8e: {  	[smem:$0x3FC5] =	sst s2  }
0x8f: {  	_ = 	snop  }
0x90: {  	s2 =	sld [smem:$0x3FC9]  }
0x91: {  	s19 =	sld [smem:$0x3FC8]  }
0x92: {  	s4 =	sld [smem:$0x3FC7]  }
0x93: {  	s5 =	sld [smem:$0x3FD0];
	(tm) =	ssettm $0x1  }
0x94: {  	s6 =	sld [smem:$0x3FFB];
	_ =	sdelay $0x3  }
0x95: {  	_ =	strace s6  }
0x96: {  	s6 =	sld [smem:$0x3FFC];
	_ =	sdelay $0x3  }
0x97: {  	_ =	strace s6  }
0x98: {  	s6 =	sld [smem:$0x3FFD];
	_ =	sdelay $0x3  }
0x99: {  	_ =	strace s6  }
0x9a: {  	_ =	strace $0x8FFFFFFF  }
0x9b: {  	s20 =	sld [smem:$0x3FDB];
	_ =	sdelay $0x1  }
0x9c: {  	s7 =	simm.s32 $_scs_section_size  }
0x9d: {  	s8 =	simm.s32 $_size__tile_overlayer_lowered;
	s9 =	simm.s32 $_tile_overlayer_lowered  }
0x9e: {  	s23 =	simm.s32 $0x1BFF;
	s22 =	sshll.u32 s9, $0x1;
	s6 =	sadd.s32 s7, s20  }
0x9f: {  	s10 =	simm.s32 $0x0;
	s21 =	sshll.u32 s8, $0x1;
	s8 =	sadd.s32 s22, s6  }
0xa0: {  	[timem:s10], [sflag:s23] =	dma.local [hbm:s8], s21  }
0xa1: {  	_ =	swait.ge [sflag:s23], s21  }
0xa2: {  	s7 =	ssub.s32 $0x0, s21;
	[sflag:s23] =	ssyncset.done $0x0  }
0xa3: {  	[sflag:s23] =	ssyncadd.s32 s7;
	_ =	sdelay $0x1  }
0xa4: {  	s24 =	simm.s32 $0x1B8B  }
0xa5: {  	_ =	swait.ge [sflag:s24], $0x1  }
0xa6: {  	[sflag:s24] =	ssyncset.done $0x0  }
0xa7: {  	s25 =	simm.s32 $0x1B8E;
	[sflag:s24] =	ssyncadd.s32 $0xFFFFFFFF  }
0xa8: {  	s26 =	simm.s32 $execute0_lowered;
	[smem:$0x3FD2] =	sst s25  }
0xa9: {  	s7 =	sshll.u32 s26, $0x1;
	_ =	strace $0x80000046;
	[dreg:$0x1] =	wrdreg $0xFFFFFFFF  }
0xaa: {  	s28 =	simm.s32 $_size_execute0_lowered;
	s6 =	sadd.s32 s6, s7;
	[dreg:$0x0] =	wrdreg $0x0  }
0xab: {  	s7 =	sshll.u32 s28, $0x1;
	[dreg:$0x2] =	wrdreg s6  }
0xac: {  	[dreg:$0x3] =	wrdreg s7  }
0xad: {  	[dreg:$0x4] =	wrdreg $0xC0  }
0xae: {  	_ =	task [dreg:s10], $0x5FFFF  }
0xaf: {  	[dreg:$0x1] =	wrdreg $0xFFFFFFFF  }
0xb0: {  	[dreg:$0x0] =	wrdreg $0x60  }
0xb1: {  	[dreg:$0x2] =	wrdreg s2  }
0xb2: {  	[dreg:$0x3] =	wrdreg s19  }
0xb3: {  	[dreg:$0x4] =	wrdreg s4  }
0xb4: {  	[dreg:$0x5] =	wrdreg s5  }
0xb5: {  	[dreg:$0x6] =	wrdreg $0x9  }
0xb6: {  	_ =	task.clear_ibuf [dreg:s10], $0x7FFFF;
	_ =	strace $0x90000046  }
0xb7: {  	s29 =	simm.s32 $0x9;
	_ =	strace $0x80000048  }
0xb8: {  	_ =	swait.ge [sflag:s29], $0x1  }
0xb9: {  	[sflag:s29] =	ssyncadd.s32 $0xFFFFFFFF  }
0xba: {  	_ =	strace $0x90000048  }
0xbb: {  	_ =	sfence  }
0xbc: {  	s30 =	sld [smem:$0x0];
	_ =	sdelay $0x2  }
0xbd: {  	s31 =	sshll.u32 s1, $0xD;
	s1 =	sshrl.u32 s1, $0x2  }
0xbe: {  	s3 =	sand.u32 $0x4000, s31;
	s1 =	sadd.s32 s1, s30  }
0xbf: {  	s0 =	sor.u32 s3, s0;
	s1 =	sshll.u32 s1, $0x11  }
0xc0: {  	s0 =	sor.u32 s1, s0  }
0xc1: {  	s0 =	sadd.s32 $0x8F2B, s0  }
0xc2: {  	[sflag:s0] =	ssyncadd.remote.s32 $0x1  }
0xc3: {  	_ =	sfence.sel $0xFFFF  }
0xc4: {  	[dreg:$0x0] =	wrdreg $0xFFFFFFFF;
	(pc) =	sbr.abs _section_cstart, $3  }
0xc5: {  	[dreg:$0x1] =	wrdreg $0xFFFFFFFF  }
0xc6: {  	_ =	task.clear_ibuf [dreg:s10], $0x2FFFF;
	_ =	strace $0x9FFFFFFF  }
0xc7: {  	(tm) =	ssettm $0x7FFFFFFF  }
tec
execute0_lowered:
.L_overlay_start_1:
0x0: {  	(tag) =	ssettag $0x1  }
0x1: {  	s0 =	rddreg [dreg:$0x0];
	s2 =	srdreg.scid  }
0x2: {  	s1 =	rddreg [dreg:$0x1];
	s3 =	stileid.u32  }
0x3: {  	s6 =	rddreg [dreg:$0x2];
	s5 =	simm.s32 $0x0;
	s19 =	simm.s32 $0xD  }
0x4: {  	s22 =	simm.s32 $0x7;
	s23 =	simm.s32 $0x8;
	s24 =	simm.s32 $0x9  }
0x5: {  	s2 =	sand.u32 $0x1, s2;
	s4 =	sshll.u32 s3, $0x7;
	s3 =	rddreg [dreg:$0x3]  }
0x6: {  	[smem:$0x7FF] =	sst s5;
	s8 =	sshll.u32 s2, $0x6;
	s2 =	ssub.s32 $0x2, s2  }
0x7: {  	_ =	strace $0x80000047;
	s4 =	sor.u32 s8, s4;
	s10 =	sshrl.u32 s2, $0x1  }
0x8: {  	s9 =	sshll.u32 s4, $0x2;
	s2 =	ssub.s32 s2, s10;
	s29 =	sshrl.u32 s4, $0x3  }
0x9: {  	s7 =	sand.u32 $0x1E00, s9;
	s9 =	sor.u32 s8, s9;
	s10 =	smul.u32 $0x300, s29  }
0xa: {  	s31 =	smax.u32 s2, $0x1;
	s7 =	sor.u32 s8, s7;
	s9 =	sshrl.u32 s9, $0x3  }
0xb: {  	[dreg:$0xa] =	wrdreg s31;
	s7 =	sshrl.u32 s7, $0x3;
	s30 =	sadd.s32 s6, s10  }
0xc: {  	s11 =	sor.u32 $0x20, s9;
	s12 =	sadd.s32 s0, s7;
	[dreg:$0x9] =	wrdreg s30  }
0xd: {  	s9 =	sor.u32 $0x30, s9;
	s11 =	sadd.s32 s0, s11;
	[dreg:$0x5] =	wrdreg s12  }
0xe: {  	v2 =	vlaneseq.u32;
	s25 =	simm.s32 $0xA;
	s0 =	sadd.s32 s0, s9;
	[dreg:$0x7] =	wrdreg s11  }
0xf: {  	vm0 =	vmmov $0xffff;
	s26 =	simm.s32 $0x0;
	v1 =	vshrl.u32 v2, $0x3;
	s12 =	sadd.s32 $0x10, s12;
	[dreg:$0x8] =	wrdreg s0  }
0x10: {  	v0 =	vand.u32 $0x7, v2;
	v2 =	vor.u32 $0x8, v2;
	v1 =	vmul.u32 $0x8, v1;
	s8 =	sadd.s32 $0x200, s1;
	s7 =	sadd.s32 $0x100, s1;
	[dreg:$0x6] =	wrdreg s12  }
.LBB2_1:
0x11: {  	s0 =	rddreg [dreg:$0x5];
	s13 =	simm.s32 $0xE  }
0x12: {  	[tilespmem:s5], [sflag:$0xE] =	stream.linear.gather [hbm4b:s0+s5], $0x40, $0x38;
	[tilespmem:$0x1E200] =	vst v63  }
0x13: {  	_ =	swait.ge [sflag:s13], $0x40  }
0x14: {  	[sflag:s13] =	ssyncset.done $0x0  }
0x15: {  	[sflag:s13] =	ssyncadd.s32 $0xFFFFFFC0  }
0x16: {  	v3 =	vld [tilespmem:$0x0];
	_ =	sdelay $0x4  }
0x17: {  	v4 =	vshrl.u32 v3, $0x3  }
0x18: {  	v4 =	vmul.u32 $0x30, v4  }
0x19: {  	v3 =	vand.u32 $0x7, v3  }
0x1a: {  	v3 =	vor.u32 v3, v4  }
0x1b: {  	v4 =	vperm.xlane v3, v0;
	_ =	sdelay $0x1  }
0x1c: {  	v4 =	vadd.s32 v1, v4;
	_ =	sdelay $0x3  }
0x1d: {  	s14 =	simm.s32 $0xC200;
	v3 =	vperm.xlane v3, v2  }
0x1e: {  	[tilespmem:s14], [sflag:$0x1] =	stream.indirect_vreg.gather [hbm4b:s1+s5], $0x80, v4, vm0, $0xb8;
	[tilespmem:$0x1E200] =	vst v63  }
0x1f: {  	s15 =	simm.s32 $0xCA00;
	v3 =	vadd.s32 v1, v3  }
0x20: {  	[tilespmem:s15], [sflag:$0x1] =	stream.indirect_vreg.gather [hbm4b:s7+s5], $0x80, v4, vm0, $0xb8;
	[tilespmem:$0x1E200] =	vst v63  }
0x21: {  	s16 =	simm.s32 $0xD200  }
0x22: {  	[tilespmem:s16], [sflag:$0x1] =	stream.indirect_vreg.gather [hbm4b:s8+s5], $0x80, v4, vm0, $0xb8;
	[tilespmem:$0x1E200] =	vst v63  }
0x23: {  	s17 =	simm.s32 $0xDA00  }
0x24: {  	[tilespmem:s17], [sflag:$0x1] =	stream.indirect_vreg.gather [hbm4b:s1+s5], $0x80, v3, vm0, $0xb8;
	[tilespmem:$0x1E200] =	vst v63  }
0x25: {  	s18 =	simm.s32 $0xE200  }
0x26: {  	[tilespmem:s18], [sflag:$0x1] =	stream.indirect_vreg.gather [hbm4b:s7+s5], $0x80, v3, vm0, $0xb8;
	[tilespmem:$0x1E200] =	vst v63  }
0x27: {  	s20 =	simm.s32 $0xEA00  }
0x28: {  	[tilespmem:s20], [sflag:$0x1] =	stream.indirect_vreg.gather [hbm4b:s8+s5], $0x80, v3, vm0, $0xb8;
	[tilespmem:$0x1E200] =	vst v63  }
0x29: {  	v3 =	vld [tilespmem:$0x10];
	_ =	sdelay $0x4  }
0x2a: {  	v62 =	vshrl.u32 v3, $0x3  }
0x2b: {  	v4 =	vmul.u32 $0x30, v62  }
0x2c: {  	v3 =	vand.u32 $0x7, v3  }
0x2d: {  	v3 =	vor.u32 v3, v4  }
0x2e: {  	v4 =	vperm.xlane v3, v0;
	_ =	sdelay $0x1  }
0x2f: {  	v4 =	vadd.s32 v1, v4;
	_ =	sdelay $0x3  }
0x30: {  	s21 =	simm.s32 $0xF200;
	v3 =	vperm.xlane v3, v2  }
0x31: {  	[tilespmem:s21], [sflag:$0x2] =	stream.indirect_vreg.gather [hbm4b:s1+s5], $0x80, v4, vm0, $0xb8;
	[tilespmem:$0x1E200] =	vst v63  }
0x32: {  	s30 =	simm.s32 $0xFA00;
	v3 =	vadd.s32 v1, v3  }
0x33: {  	[tilespmem:s30], [sflag:$0x2] =	stream.indirect_vreg.gather [hbm4b:s7+s5], $0x80, v4, vm0, $0xb8;
	[tilespmem:$0x1E200] =	vst v63  }
0x34: {  	s31 =	simm.s32 $0x10200  }
0x35: {  	[tilespmem:s31], [sflag:$0x2] =	stream.indirect_vreg.gather [hbm4b:s8+s5], $0x80, v4, vm0, $0xb8;
	[tilespmem:$0x1E200] =	vst v63  }
0x36: {  	s2 =	simm.s32 $0x10A00  }
0x37: {  	[tilespmem:s2], [sflag:$0x2] =	stream.indirect_vreg.gather [hbm4b:s1+s5], $0x80, v3, vm0, $0xb8;
	[tilespmem:$0x1E200] =	vst v63  }
0x38: {  	s6 =	simm.s32 $0x11200  }
0x39: {  	[tilespmem:s6], [sflag:$0x2] =	stream.indirect_vreg.gather [hbm4b:s7+s5], $0x80, v3, vm0, $0xb8;
	[tilespmem:$0x1E200] =	vst v63  }
0x3a: {  	s9 =	simm.s32 $0x11A00  }
0x3b: {  	[tilespmem:s9], [sflag:$0x2] =	stream.indirect_vreg.gather [hbm4b:s8+s5], $0x80, v3, vm0, $0xb8;
	[tilespmem:$0x1E200] =	vst v63  }
0x3c: {  	v3 =	vld [tilespmem:$0x20];
	_ =	sdelay $0x4  }
0x3d: {  	v63 =	vshrl.u32 v3, $0x3  }
0x3e: {  	v4 =	vmul.u32 $0x30, v63  }
0x3f: {  	v3 =	vand.u32 $0x7, v3  }
0x40: {  	v3 =	vor.u32 v3, v4  }
0x41: {  	v4 =	vperm.xlane v3, v0;
	_ =	sdelay $0x1  }
0x42: {  	v4 =	vadd.s32 v1, v4;
	_ =	sdelay $0x3  }
0x43: {  	s10 =	simm.s32 $0x12200;
	v3 =	vperm.xlane v3, v2  }
0x44: {  	[tilespmem:s10], [sflag:$0x3] =	stream.indirect_vreg.gather [hbm4b:s1+s5], $0x80, v4, vm0, $0xb8;
	[tilespmem:$0x1E200] =	vst v63  }
0x45: {  	s11 =	simm.s32 $0x12A00;
	v3 =	vadd.s32 v1, v3  }
0x46: {  	[tilespmem:s11], [sflag:$0x3] =	stream.indirect_vreg.gather [hbm4b:s7+s5], $0x80, v4, vm0, $0xb8;
	[tilespmem:$0x1E200] =	vst v63  }
0x47: {  	s12 =	simm.s32 $0x13200  }
0x48: {  	[tilespmem:s12], [sflag:$0x3] =	stream.indirect_vreg.gather [hbm4b:s8+s5], $0x80, v4, vm0, $0xb8;
	[tilespmem:$0x1E200] =	vst v63  }
0x49: {  	s13 =	simm.s32 $0x13A00  }
0x4a: {  	[tilespmem:s13], [sflag:$0x3] =	stream.indirect_vreg.gather [hbm4b:s1+s5], $0x80, v3, vm0, $0xb8;
	[tilespmem:$0x1E200] =	vst v63  }
0x4b: {  	s14 =	simm.s32 $0x14200  }
0x4c: {  	[tilespmem:s14], [sflag:$0x3] =	stream.indirect_vreg.gather [hbm4b:s7+s5], $0x80, v3, vm0, $0xb8;
	[tilespmem:$0x1E200] =	vst v63  }
0x4d: {  	s15 =	simm.s32 $0x14A00  }
0x4e: {  	[tilespmem:s15], [sflag:$0x3] =	stream.indirect_vreg.gather [hbm4b:s8+s5], $0x80, v3, vm0, $0xb8;
	[tilespmem:$0x1E200] =	vst v63  }
0x4f: {  	s16 =	rddreg [dreg:$0x6];
	s2 =	simm.s32 $0x80  }
0x50: {  	[tilespmem:s2], [sflag:$0xD] =	stream.linear.gather [hbm4b:s16+s5], $0x40, $0x38;
	[tilespmem:$0x1E200] =	vst v63  }
0x51: {  	s17 =	rddreg [dreg:$0x7];
	s18 =	simm.s32 $0x100  }
0x52: {  	[tilespmem:s18], [sflag:$0xD] =	stream.linear.gather [hbm4b:s17+s5], $0x40, $0x38;
	[tilespmem:$0x1E200] =	vst v63  }
0x53: {  	s20 =	rddreg [dreg:$0x8];
	s21 =	simm.s32 $0x180  }
0x54: {  	[tilespmem:s21], [sflag:$0xD] =	stream.linear.gather [hbm4b:s20+s5], $0x40, $0x38;
	[tilespmem:$0x1E200] =	vst v63  }
0x55: {  	s30 =	rddreg [dreg:$0x9];
	s31 =	simm.s32 $0x200  }
0x56: {  	[tilespmem:s31], [sflag:$0xD] =	stream.linear.gather [hbm4b:s30+s5], $0xC000, $0x38;
	[tilespmem:$0x1E200] =	vst v63  }
0x57: {  	_ =	swait.ge [sflag:s19], $0x40  }
0x58: {  	[sflag:s19] =	ssyncset.done $0x0  }
0x59: {  	[sflag:s19] =	ssyncadd.s32 $0xFFFFFFC0  }
0x5a: {  	_ =	swait.ge [sflag:s19], $0x40  }
0x5b: {  	[sflag:s19] =	ssyncset.done $0x0  }
0x5c: {  	[sflag:s19] =	ssyncadd.s32 $0xFFFFFFC0  }
0x5d: {  	_ =	swait.ge [sflag:s19], $0x40  }
0x5e: {  	[sflag:s19] =	ssyncset.done $0x0  }
0x5f: {  	[sflag:s19] =	ssyncadd.s32 $0xFFFFFFC0  }
0x60: {  	_ =	swait.ge [sflag:s19], $0xC000  }
0x61: {  	[sflag:s19] =	ssyncset.done $0x0  }
0x62: {  	s28 =	simm.s32 $0x0;
	s29 =	simm.s32 $0x0;
	[sflag:s19] =	ssyncadd.s32 $0xFFFF4000  }
.LBB2_2:
0x63: {  	s0 =	sadd.s32 $0x3, s29;
	p0 =	sgt.u32 s29, $0xC  }
0x64: {  	s2 =	smul.u32 @!p0 $0xAB, s0;
	_ =	sdelay $0x1  }
0x65: {  	s2 =	sshrl.u32 @!p0 s2, $0xA  }
0x66: {  	s2 =	sand.u32 @!p0 $0x3F, s2  }
0x67: {  	s2 =	smul.u32 @!p0 $0x6, s2;
	_ =	sdelay $0x1  }
0x68: {  	p1 =	slt.u32 @!p0 s29, $0x3;
	s2 =	ssub.s32 @!p0 s0, s2  }
0x69: {  	p1 =	por p1, p0;
	s2 =	sand.u32 @!p0 $0xFF, s2  }
0x6a: {  	s6 =	sadd.s32 @!p1 $0x7, s2  }
0x6b: {  	s9 =	sshll.u32 @!p0 s0, $0x4;
	s0 =	sshll.u32 @!p0 s0, $0x5;
	_ =	swait.ge @!p1 [sflag:s6], $0x3000  }
0x6c: {  	s9 =	sand.u32 @!p0 $0x30, s9;
	s0 =	sand.u32 @!p0 $0x3FFFFF80, s0;
	[sflag:s6] =	ssyncset.done @!p1 $0x0  }
0x6d: {  	s0 =	sor.u32 @!p0 s9, s0;
	[sflag:s6] =	ssyncadd.s32 @!p1 $0xFFFFD000  }
0x6e: {  	v3 =	vld @!p0 [tilespmem:s0+$0x0];
	_ =	sdelay $0x4  }
0x6f: {  	v4 =	vshrl.u32 @!p0 v3, $0x3  }
0x70: {  	v4 =	vmul.u32 @!p0 $0x30, v4  }
0x71: {  	v5 =	vlaneseq.u32 @!p0;
	v3 =	vand.u32 @!p0 $0x7, v3  }
0x72: {  	v6 =	vshrl.u32 @!p0 v5, $0x3;
	v3 =	vor.u32 @!p0 v3, v4;
	v4 =	vand.u32 @!p0 $0x7, v5  }
0x73: {  	v6 =	vmul.u32 @!p0 $0x8, v6;
	v4 =	vperm.xlane @!p0 v3, v4;
	_ =	sdelay $0x1  }
0x74: {  	v4 =	vadd.s32 @!p0 v6, v4  }
0x75: {  	s0 =	smul.u32 @!p0 $0xC000, s2;
	_ =	sdelay $0x1  }
0x76: {  	s0 =	sshrl.u32 @!p0 s0, $0x2;
	v5 =	vor.u32 @!p0 $0x8, v5  }
0x77: {  	vm1 =	vmmov @!p0 $0xffff;
	s9 =	simm.s32 @!p0 $0x0;
	s2 =	sadd.s32 @!p0 $0x1, s2;
	s6 =	sadd.s32 @!p0 $0xC200, s0;
	v3 =	vperm.xlane @!p0 v3, v5  }
0x78: {  	[tilespmem:s6], [sflag:s2] =	stream.indirect_vreg.gather @!p0 [hbm4b:s1+s9], $0x80, v4, vm1, $0xb8;
	[tilespmem:$0x1E200] =	vst v63  }
0x79: {  	s12 =	smul.u32 $0xAB, s29;
	s10 =	sadd.s32 @!p0 $0xCA00, s0;
	v3 =	vadd.s32 @!p0 v6, v3  }
0x7a: {  	[tilespmem:s10], [sflag:s2] =	stream.indirect_vreg.gather @!p0 [hbm4b:s7+s9], $0x80, v4, vm1, $0xb8;
	[tilespmem:$0x1E200] =	vst v63  }
0x7b: {  	s6 =	sshrl.u32 s12, $0xA;
	s10 =	sadd.s32 @!p0 $0xD200, s0  }
0x7c: {  	[tilespmem:s10], [sflag:s2] =	stream.indirect_vreg.gather @!p0 [hbm4b:s8+s9], $0x80, v4, vm1, $0xb8;
	[tilespmem:$0x1E200] =	vst v63  }
0x7d: {  	s13 =	sand.u32 $0x3, s28;
	s6 =	sand.u32 $0x3F, s6;
	s10 =	sadd.s32 @!p0 $0xDA00, s0  }
0x7e: {  	[tilespmem:s10], [sflag:s2] =	stream.indirect_vreg.gather @!p0 [hbm4b:s1+s9], $0x80, v3, vm1, $0xb8;
	[tilespmem:$0x1E200] =	vst v63  }
0x7f: {  	s18 =	sshll.u32 s13, $0x4;
	s11 =	sadd.s32 @!p0 $0xE200, s0;
	s6 =	smul.u32 $0x6, s6  }
0x80: {  	[tilespmem:s11], [sflag:s2] =	stream.indirect_vreg.gather @!p0 [hbm4b:s7+s9], $0x80, v3, vm1, $0xb8;
	[tilespmem:$0x1E200] =	vst v63  }
0x81: {  	s14 =	sadd.s32 $0x0, s18;
	s6 =	ssub.s32 s29, s6;
	s0 =	sadd.s32 @!p0 $0xEA00, s0  }
0x82: {  	[tilespmem:s0], [sflag:s2] =	stream.indirect_vreg.gather @!p0 [hbm4b:s8+s9], $0x80, v3, vm1, $0xb8;
	[tilespmem:$0x1E200] =	vst v63  }
0x83: {  	s30 =	sand.u32 $0xFF, s6;
	s0 =	sshrl.u32 s14, $0x3  }
0x84: {  	s15 =	sadd.s32 $0x1, s30;
	s0 =	smul.u32 $0x6000, s0  }
0x85: {  	s16 =	simm.s32 $0x0;
	s21 =	simm.s32 $0x0;
	_ =	swait.ge [sflag:s15], $0x3000  }
0x86: {  	s17 =	sand.u32 $0x380, s16;
	[sflag:s15] =	ssyncset.done $0x0;
	s0 =	sshra.s32 s0, $0x2  }
0x87: {  	s20 =	smul.u32 $0xC000, s30;
	[sflag:s15] =	ssyncadd.s32 $0xFFFFD000;
	s11 =	sor.u32 s17, s0  }
0x88: {  	s0 =	smul.u32 $0x6000, s21;
	v3 =	vld [tilespmem:s11+$0x200]  }
0x89: {  	s6 =	sshrl.u32 s20, $0x2  }
0x8a: {  	s31 =	sadd.s32 $0xC200, s6;
	s0 =	sshra.s32 s0, $0x2  }
0x8b: {  	s0 =	sadd.s32 s0, s31  }
0x8c: {  	s2 =	sadd.s32 s17, s0  }
0x8d: {  	[tilespmem:s2+$0x0] =	vst.add.f32.msk $0xffff, v3  }
0x8e: {  	v3 =	vld [tilespmem:s11+$0x210];
	_ =	sdelay $0x4  }
0x8f: {  	[tilespmem:s2+$0x10] =	vst.add.f32.msk $0xffff, v3  }
0x90: {  	v3 =	vld [tilespmem:s11+$0x220];
	_ =	sdelay $0x4  }
0x91: {  	[tilespmem:s2+$0x20] =	vst.add.f32.msk $0xffff, v3  }
0x92: {  	v3 =	vld [tilespmem:s11+$0x230];
	_ =	sdelay $0x4  }
0x93: {  	[tilespmem:s2+$0x30] =	vst.add.f32.msk $0xffff, v3  }
0x94: {  	v3 =	vld [tilespmem:s11+$0x240];
	_ =	sdelay $0x4  }
0x95: {  	[tilespmem:s2+$0x40] =	vst.add.f32.msk $0xffff, v3  }
0x96: {  	v3 =	vld [tilespmem:s11+$0x250];
	_ =	sdelay $0x4  }
0x97: {  	[tilespmem:s2+$0x50] =	vst.add.f32.msk $0xffff, v3  }
0x98: {  	v3 =	vld [tilespmem:s11+$0x260];
	_ =	sdelay $0x4  }
0x99: {  	[tilespmem:s2+$0x60] =	vst.add.f32.msk $0xffff, v3  }
0x9a: {  	v3 =	vld [tilespmem:s11+$0x270];
	_ =	sdelay $0x4  }
0x9b: {  	[tilespmem:s2+$0x70] =	vst.add.f32.msk $0xffff, v3  }
0x9c: {  	v3 =	vld [tilespmem:s11+$0x600];
	_ =	sdelay $0x4  }
0x9d: {  	[tilespmem:s2+$0x400] =	vst.add.f32.msk $0xffff, v3  }
0x9e: {  	v3 =	vld [tilespmem:s11+$0x610];
	_ =	sdelay $0x4  }
0x9f: {  	[tilespmem:s2+$0x410] =	vst.add.f32.msk $0xffff, v3  }
0xa0: {  	v3 =	vld [tilespmem:s11+$0x620];
	_ =	sdelay $0x4  }
0xa1: {  	[tilespmem:s2+$0x420] =	vst.add.f32.msk $0xffff, v3  }
0xa2: {  	v3 =	vld [tilespmem:s11+$0x630];
	_ =	sdelay $0x4  }
0xa3: {  	[tilespmem:s2+$0x430] =	vst.add.f32.msk $0xffff, v3  }
0xa4: {  	v3 =	vld [tilespmem:s11+$0x640];
	_ =	sdelay $0x4  }
0xa5: {  	[tilespmem:s2+$0x440] =	vst.add.f32.msk $0xffff, v3  }
0xa6: {  	v3 =	vld [tilespmem:s11+$0x650];
	_ =	sdelay $0x4  }
0xa7: {  	[tilespmem:s2+$0x450] =	vst.add.f32.msk $0xffff, v3  }
0xa8: {  	v3 =	vld [tilespmem:s11+$0x660];
	_ =	sdelay $0x3  }
0xa9: {  	s9 =	sadd.s32 $0x1, s18  }
0xaa: {  	s0 =	sshrl.u32 s9, $0x3;
	[tilespmem:s2+$0x460] =	vst.add.f32.msk $0xffff, v3  }
0xab: {  	s0 =	smul.u32 $0x6000, s0;
	v3 =	vld [tilespmem:s11+$0x670]  }
0xac: {  	s10 =	simm.s32 $0x80  }
0xad: {  	s6 =	sand.u32 $0x380, s10;
	s0 =	sshra.s32 s0, $0x2  }
0xae: {  	s12 =	simm.s32 $0x0;
	s15 =	sor.u32 s6, s0  }
0xaf: {  	s0 =	smul.u32 $0x6000, s12;
	v4 =	vld [tilespmem:s15+$0x200]  }
0xb0: {  	[tilespmem:s2+$0x470] =	vst.add.f32.msk $0xffff, v3  }
0xb1: {  	s0 =	sshra.s32 s0, $0x2;
	v3 =	vld [tilespmem:s11+$0xA00]  }
0xb2: {  	s0 =	sadd.s32 s0, s31  }
0xb3: {  	s0 =	sadd.s32 s6, s0  }
0xb4: {  	[tilespmem:s0+$0x0] =	vst.add.f32.msk $0xffff, v4  }
0xb5: {  	v4 =	vld [tilespmem:s15+$0x210]  }
0xb6: {  	[tilespmem:s2+$0x800] =	vst.add.f32.msk $0xffff, v3  }
0xb7: {  	v3 =	vld [tilespmem:s11+$0xA10];
	_ =	sdelay $0x2  }
0xb8: {  	[tilespmem:s0+$0x10] =	vst.add.f32.msk $0xffff, v4  }
0xb9: {  	v4 =	vld [tilespmem:s15+$0x220]  }
0xba: {  	[tilespmem:s2+$0x810] =	vst.add.f32.msk $0xffff, v3  }
0xbb: {  	v3 =	vld [tilespmem:s11+$0xA20];
	_ =	sdelay $0x2  }
0xbc: {  	[tilespmem:s0+$0x20] =	vst.add.f32.msk $0xffff, v4  }
0xbd: {  	v4 =	vld [tilespmem:s15+$0x230]  }
0xbe: {  	[tilespmem:s2+$0x820] =	vst.add.f32.msk $0xffff, v3  }
0xbf: {  	v3 =	vld [tilespmem:s11+$0xA30];
	_ =	sdelay $0x2  }
0xc0: {  	[tilespmem:s0+$0x30] =	vst.add.f32.msk $0xffff, v4  }
0xc1: {  	v4 =	vld [tilespmem:s15+$0x240]  }
0xc2: {  	[tilespmem:s2+$0x830] =	vst.add.f32.msk $0xffff, v3  }
0xc3: {  	v3 =	vld [tilespmem:s11+$0xA40];
	_ =	sdelay $0x2  }
0xc4: {  	[tilespmem:s0+$0x40] =	vst.add.f32.msk $0xffff, v4  }
0xc5: {  	v4 =	vld [tilespmem:s15+$0x250]  }
0xc6: {  	[tilespmem:s2+$0x840] =	vst.add.f32.msk $0xffff, v3  }
0xc7: {  	v3 =	vld [tilespmem:s11+$0xA50];
	_ =	sdelay $0x2  }
0xc8: {  	[tilespmem:s0+$0x50] =	vst.add.f32.msk $0xffff, v4  }
0xc9: {  	v4 =	vld [tilespmem:s15+$0x260]  }
0xca: {  	[tilespmem:s2+$0x850] =	vst.add.f32.msk $0xffff, v3  }
0xcb: {  	v3 =	vld [tilespmem:s11+$0xA60];
	_ =	sdelay $0x2  }
0xcc: {  	[tilespmem:s0+$0x60] =	vst.add.f32.msk $0xffff, v4  }
0xcd: {  	v4 =	vld [tilespmem:s15+$0x270]  }
0xce: {  	[tilespmem:s2+$0x860] =	vst.add.f32.msk $0xffff, v3  }
0xcf: {  	v3 =	vld [tilespmem:s11+$0xA70];
	_ =	sdelay $0x2  }
0xd0: {  	[tilespmem:s0+$0x70] =	vst.add.f32.msk $0xffff, v4  }
0xd1: {  	v4 =	vld [tilespmem:s15+$0x600]  }
0xd2: {  	[tilespmem:s2+$0x870] =	vst.add.f32.msk $0xffff, v3  }
0xd3: {  	v3 =	vld [tilespmem:s11+$0xE00];
	_ =	sdelay $0x2  }
0xd4: {  	[tilespmem:s0+$0x400] =	vst.add.f32.msk $0xffff, v4  }
0xd5: {  	v4 =	vld [tilespmem:s15+$0x610]  }
0xd6: {  	[tilespmem:s2+$0xC00] =	vst.add.f32.msk $0xffff, v3  }
0xd7: {  	v3 =	vld [tilespmem:s11+$0xE10];
	_ =	sdelay $0x2  }
0xd8: {  	[tilespmem:s0+$0x410] =	vst.add.f32.msk $0xffff, v4  }
0xd9: {  	v4 =	vld [tilespmem:s15+$0x620]  }
0xda: {  	[tilespmem:s2+$0xC10] =	vst.add.f32.msk $0xffff, v3  }
0xdb: {  	v3 =	vld [tilespmem:s11+$0xE20];
	_ =	sdelay $0x2  }
0xdc: {  	[tilespmem:s0+$0x420] =	vst.add.f32.msk $0xffff, v4  }
0xdd: {  	v4 =	vld [tilespmem:s15+$0x630]  }
0xde: {  	[tilespmem:s2+$0xC20] =	vst.add.f32.msk $0xffff, v3  }
0xdf: {  	v3 =	vld [tilespmem:s11+$0xE30];
	_ =	sdelay $0x2  }
0xe0: {  	[tilespmem:s0+$0x430] =	vst.add.f32.msk $0xffff, v4  }
0xe1: {  	v4 =	vld [tilespmem:s15+$0x640]  }
0xe2: {  	[tilespmem:s2+$0xC30] =	vst.add.f32.msk $0xffff, v3  }
0xe3: {  	v3 =	vld [tilespmem:s11+$0xE40];
	_ =	sdelay $0x2  }
0xe4: {  	[tilespmem:s0+$0x440] =	vst.add.f32.msk $0xffff, v4  }
0xe5: {  	v4 =	vld [tilespmem:s15+$0x650]  }
0xe6: {  	[tilespmem:s2+$0xC40] =	vst.add.f32.msk $0xffff, v3  }
0xe7: {  	v3 =	vld [tilespmem:s11+$0xE50];
	_ =	sdelay $0x2  }
0xe8: {  	[tilespmem:s0+$0x450] =	vst.add.f32.msk $0xffff, v4  }
0xe9: {  	v4 =	vld [tilespmem:s15+$0x660]  }
0xea: {  	[tilespmem:s2+$0xC50] =	vst.add.f32.msk $0xffff, v3  }
0xeb: {  	v3 =	vld [tilespmem:s11+$0xE60];
	_ =	sdelay $0x1  }
0xec: {  	s13 =	sadd.s32 $0x2, s18  }
0xed: {  	s6 =	sshrl.u32 s13, $0x3;
	[tilespmem:s0+$0x460] =	vst.add.f32.msk $0xffff, v4  }
0xee: {  	s6 =	smul.u32 $0x6000, s6;
	v4 =	vld [tilespmem:s15+$0x670]  }
0xef: {  	s14 =	simm.s32 $0x100;
	[tilespmem:s2+$0xC60] =	vst.add.f32.msk $0xffff, v3  }
0xf0: {  	s9 =	sand.u32 $0x380, s14;
	s6 =	sshra.s32 s6, $0x2;
	v3 =	vld [tilespmem:s11+$0xE70]  }
0xf1: {  	s16 =	simm.s32 $0x0;
	s17 =	sor.u32 s9, s6  }
0xf2: {  	s6 =	smul.u32 $0x6000, s16;
	v5 =	vld [tilespmem:s17+$0x200]  }
0xf3: {  	[tilespmem:s0+$0x470] =	vst.add.f32.msk $0xffff, v4  }
0xf4: {  	s6 =	sshra.s32 s6, $0x2;
	v4 =	vld [tilespmem:s15+$0xA00]  }
0xf5: {  	s6 =	sadd.s32 s6, s31;
	[tilespmem:s2+$0xC70] =	vst.add.f32.msk $0xffff, v3  }
0xf6: {  	s16 =	sadd.s32 s9, s6;
	v3 =	vld [tilespmem:s11+$0x1200]  }
0xf7: {  	[tilespmem:s16+$0x0] =	vst.add.f32.msk $0xffff, v5  }
0xf8: {  	v5 =	vld [tilespmem:s17+$0x210]  }
0xf9: {  	[tilespmem:s0+$0x800] =	vst.add.f32.msk $0xffff, v4  }
0xfa: {  	v4 =	vld [tilespmem:s15+$0xA10]  }
0xfb: {  	[tilespmem:s2+$0x1000] =	vst.add.f32.msk $0xffff, v3  }
0xfc: {  	v3 =	vld [tilespmem:s11+$0x1210]  }
0xfd: {  	[tilespmem:s16+$0x10] =	vst.add.f32.msk $0xffff, v5  }
0xfe: {  	v5 =	vld [tilespmem:s17+$0x220]  }
0xff: {  	[tilespmem:s0+$0x810] =	vst.add.f32.msk $0xffff, v4  }
0x100: {  	v4 =	vld [tilespmem:s15+$0xA20]  }
0x101: {  	[tilespmem:s2+$0x1010] =	vst.add.f32.msk $0xffff, v3  }
0x102: {  	v3 =	vld [tilespmem:s11+$0x1220]  }
0x103: {  	[tilespmem:s16+$0x20] =	vst.add.f32.msk $0xffff, v5  }
0x104: {  	v5 =	vld [tilespmem:s17+$0x230]  }
0x105: {  	[tilespmem:s0+$0x820] =	vst.add.f32.msk $0xffff, v4  }
0x106: {  	v4 =	vld [tilespmem:s15+$0xA30]  }
0x107: {  	[tilespmem:s2+$0x1020] =	vst.add.f32.msk $0xffff, v3  }
0x108: {  	v3 =	vld [tilespmem:s11+$0x1230]  }
0x109: {  	[tilespmem:s16+$0x30] =	vst.add.f32.msk $0xffff, v5  }
0x10a: {  	v5 =	vld [tilespmem:s17+$0x240]  }
0x10b: {  	[tilespmem:s0+$0x830] =	vst.add.f32.msk $0xffff, v4  }
0x10c: {  	v4 =	vld [tilespmem:s15+$0xA40]  }
0x10d: {  	[tilespmem:s2+$0x1030] =	vst.add.f32.msk $0xffff, v3  }
0x10e: {  	v3 =	vld [tilespmem:s11+$0x1240]  }
0x10f: {  	[tilespmem:s16+$0x40] =	vst.add.f32.msk $0xffff, v5  }
0x110: {  	v5 =	vld [tilespmem:s17+$0x250]  }
0x111: {  	[tilespmem:s0+$0x840] =	vst.add.f32.msk $0xffff, v4  }
0x112: {  	v4 =	vld [tilespmem:s15+$0xA50]  }
0x113: {  	[tilespmem:s2+$0x1040] =	vst.add.f32.msk $0xffff, v3  }
0x114: {  	v3 =	vld [tilespmem:s11+$0x1250]  }
0x115: {  	[tilespmem:s16+$0x50] =	vst.add.f32.msk $0xffff, v5  }
0x116: {  	v5 =	vld [tilespmem:s17+$0x260]  }
0x117: {  	[tilespmem:s0+$0x850] =	vst.add.f32.msk $0xffff, v4  }
0x118: {  	v4 =	vld [tilespmem:s15+$0xA60]  }
0x119: {  	[tilespmem:s2+$0x1050] =	vst.add.f32.msk $0xffff, v3  }
0x11a: {  	v3 =	vld [tilespmem:s11+$0x1260]  }
0x11b: {  	[tilespmem:s16+$0x60] =	vst.add.f32.msk $0xffff, v5  }
0x11c: {  	v5 =	vld [tilespmem:s17+$0x270]  }
0x11d: {  	[tilespmem:s0+$0x860] =	vst.add.f32.msk $0xffff, v4  }
0x11e: {  	v4 =	vld [tilespmem:s15+$0xA70]  }
0x11f: {  	[tilespmem:s2+$0x1060] =	vst.add.f32.msk $0xffff, v3  }
0x120: {  	v3 =	vld [tilespmem:s11+$0x1270]  }
0x121: {  	[tilespmem:s16+$0x70] =	vst.add.f32.msk $0xffff, v5  }
0x122: {  	v5 =	vld [tilespmem:s17+$0x600]  }
0x123: {  	[tilespmem:s0+$0x870] =	vst.add.f32.msk $0xffff, v4  }
0x124: {  	v4 =	vld [tilespmem:s15+$0xE00]  }
0x125: {  	[tilespmem:s2+$0x1070] =	vst.add.f32.msk $0xffff, v3  }
0x126: {  	v3 =	vld [tilespmem:s11+$0x1600]  }
0x127: {  	[tilespmem:s16+$0x400] =	vst.add.f32.msk $0xffff, v5  }
0x128: {  	v5 =	vld [tilespmem:s17+$0x610]  }
0x129: {  	[tilespmem:s0+$0xC00] =	vst.add.f32.msk $0xffff, v4  }
0x12a: {  	v4 =	vld [tilespmem:s15+$0xE10]  }
0x12b: {  	[tilespmem:s2+$0x1400] =	vst.add.f32.msk $0xffff, v3  }
0x12c: {  	v3 =	vld [tilespmem:s11+$0x1610]  }
0x12d: {  	[tilespmem:s16+$0x410] =	vst.add.f32.msk $0xffff, v5  }
0x12e: {  	v5 =	vld [tilespmem:s17+$0x620]  }
0x12f: {  	[tilespmem:s0+$0xC10] =	vst.add.f32.msk $0xffff, v4  }
0x130: {  	v4 =	vld [tilespmem:s15+$0xE20]  }
0x131: {  	[tilespmem:s2+$0x1410] =	vst.add.f32.msk $0xffff, v3  }
0x132: {  	v3 =	vld [tilespmem:s11+$0x1620]  }
0x133: {  	[tilespmem:s16+$0x420] =	vst.add.f32.msk $0xffff, v5  }
0x134: {  	v5 =	vld [tilespmem:s17+$0x630]  }
0x135: {  	[tilespmem:s0+$0xC20] =	vst.add.f32.msk $0xffff, v4  }
0x136: {  	v4 =	vld [tilespmem:s15+$0xE30]  }
0x137: {  	[tilespmem:s2+$0x1420] =	vst.add.f32.msk $0xffff, v3  }
0x138: {  	v3 =	vld [tilespmem:s11+$0x1630]  }
0x139: {  	[tilespmem:s16+$0x430] =	vst.add.f32.msk $0xffff, v5  }
0x13a: {  	v5 =	vld [tilespmem:s17+$0x640]  }
0x13b: {  	[tilespmem:s0+$0xC30] =	vst.add.f32.msk $0xffff, v4  }
0x13c: {  	v4 =	vld [tilespmem:s15+$0xE40]  }
0x13d: {  	[tilespmem:s2+$0x1430] =	vst.add.f32.msk $0xffff, v3  }
0x13e: {  	v3 =	vld [tilespmem:s11+$0x1640]  }
0x13f: {  	[tilespmem:s16+$0x440] =	vst.add.f32.msk $0xffff, v5  }
0x140: {  	v5 =	vld [tilespmem:s17+$0x650]  }
0x141: {  	[tilespmem:s0+$0xC40] =	vst.add.f32.msk $0xffff, v4  }
0x142: {  	v4 =	vld [tilespmem:s15+$0xE50]  }
0x143: {  	[tilespmem:s2+$0x1440] =	vst.add.f32.msk $0xffff, v3  }
0x144: {  	v3 =	vld [tilespmem:s11+$0x1650]  }
0x145: {  	[tilespmem:s16+$0x450] =	vst.add.f32.msk $0xffff, v5  }
0x146: {  	v5 =	vld [tilespmem:s17+$0x660]  }
0x147: {  	[tilespmem:s0+$0xC50] =	vst.add.f32.msk $0xffff, v4  }
0x148: {  	v4 =	vld [tilespmem:s15+$0xE60]  }
0x149: {  	[tilespmem:s2+$0x1450] =	vst.add.f32.msk $0xffff, v3  }
0x14a: {  	v3 =	vld [tilespmem:s11+$0x1660]  }
0x14b: {  	s20 =	sadd.s32 $0x3, s18;
	[tilespmem:s16+$0x460] =	vst.add.f32.msk $0xffff, v5  }
0x14c: {  	s6 =	sshrl.u32 s20, $0x3;
	v5 =	vld [tilespmem:s17+$0x670]  }
0x14d: {  	s21 =	sshll.u32 s29, $0x4;
	s6 =	smul.u32 $0x6000, s6;
	[tilespmem:s0+$0xC60] =	vst.add.f32.msk $0xffff, v4  }
0x14e: {  	s10 =	sand.u32 $0x30, s21;
	s12 =	simm.s32 $0x180;
	v4 =	vld [tilespmem:s15+$0xE70]  }
0x14f: {  	s14 =	simm.s32 $0x3;
	s20 =	sand.u32 $0x380, s12;
	s6 =	sshra.s32 s6, $0x2;
	[tilespmem:s2+$0x1460] =	vst.add.f32.msk $0xffff, v3  }
0x150: {  	s13 =	simm.s32 $0x4;
	s9 =	sshrl.u32 s29, $0x2;
	s6 =	sor.u32 s20, s6;
	v3 =	vld [tilespmem:s11+$0x1670]  }
.LBB2_3:
0x151: {  	p0 =	sne.s32 s13, $0xF;
	v6 =	vld [tilespmem:s6+$0x200];
	s14 =	sshrl.u32 s14, $0x3;
	s11 =	smov.u32 s17  }
0x152: {  	s17 =	smov.u32 s6;
	s21 =	smul.u32 $0x6000, s14;
	[tilespmem:s16+$0x470] =	vst.add.f32.msk $0xffff, v5;
	s14 =	smov.u32 s13  }
0x153: {  	v5 =	vld [tilespmem:s11+$0xA00]  }
0x154: {  	s6 =	sshra.s32 s21, $0x2;
	[tilespmem:s0+$0xC70] =	vst.add.f32.msk $0xffff, v4  }
0x155: {  	s6 =	sadd.s32 s6, s31;
	[tilespmem:s2+$0x1470] =	vst.add.f32.msk $0xffff, v3;
	s2 =	smov.u32 s0;
	s0 =	smov.u32 s16  }
0x156: {  	s16 =	sadd.s32 s20, s6;
	v3 =	vld [tilespmem:s15+$0x1200]  }
0x157: {  	[tilespmem:s16+$0x0] =	vst.add.f32.msk $0xffff, v6  }
0x158: {  	v4 =	vld [tilespmem:s17+$0x210]  }
0x159: {  	[tilespmem:s0+$0x800] =	vst.add.f32.msk $0xffff, v5  }
0x15a: {  	v5 =	vld [tilespmem:s11+$0xA10]  }
0x15b: {  	[tilespmem:s2+$0x1000] =	vst.add.f32.msk $0xffff, v3  }
0x15c: {  	v3 =	vld [tilespmem:s15+$0x1210]  }
0x15d: {  	[tilespmem:s16+$0x10] =	vst.add.f32.msk $0xffff, v4  }
0x15e: {  	v4 =	vld [tilespmem:s17+$0x220]  }
0x15f: {  	[tilespmem:s0+$0x810] =	vst.add.f32.msk $0xffff, v5  }
0x160: {  	v5 =	vld [tilespmem:s11+$0xA20]  }
0x161: {  	[tilespmem:s2+$0x1010] =	vst.add.f32.msk $0xffff, v3  }
0x162: {  	v3 =	vld [tilespmem:s15+$0x1220]  }
0x163: {  	[tilespmem:s16+$0x20] =	vst.add.f32.msk $0xffff, v4  }
0x164: {  	v4 =	vld [tilespmem:s17+$0x230]  }
0x165: {  	[tilespmem:s0+$0x820] =	vst.add.f32.msk $0xffff, v5  }
0x166: {  	v5 =	vld [tilespmem:s11+$0xA30]  }
0x167: {  	[tilespmem:s2+$0x1020] =	vst.add.f32.msk $0xffff, v3  }
0x168: {  	v3 =	vld [tilespmem:s15+$0x1230]  }
0x169: {  	[tilespmem:s16+$0x30] =	vst.add.f32.msk $0xffff, v4  }
0x16a: {  	v4 =	vld [tilespmem:s17+$0x240]  }
0x16b: {  	[tilespmem:s0+$0x830] =	vst.add.f32.msk $0xffff, v5  }
0x16c: {  	v5 =	vld [tilespmem:s11+$0xA40]  }
0x16d: {  	[tilespmem:s2+$0x1030] =	vst.add.f32.msk $0xffff, v3  }
0x16e: {  	v3 =	vld [tilespmem:s15+$0x1240]  }
0x16f: {  	[tilespmem:s16+$0x40] =	vst.add.f32.msk $0xffff, v4  }
0x170: {  	v4 =	vld [tilespmem:s17+$0x250]  }
0x171: {  	[tilespmem:s0+$0x840] =	vst.add.f32.msk $0xffff, v5  }
0x172: {  	v5 =	vld [tilespmem:s11+$0xA50]  }
0x173: {  	[tilespmem:s2+$0x1040] =	vst.add.f32.msk $0xffff, v3  }
0x174: {  	v3 =	vld [tilespmem:s15+$0x1250]  }
0x175: {  	[tilespmem:s16+$0x50] =	vst.add.f32.msk $0xffff, v4  }
0x176: {  	v4 =	vld [tilespmem:s17+$0x260]  }
0x177: {  	[tilespmem:s0+$0x850] =	vst.add.f32.msk $0xffff, v5  }
0x178: {  	v5 =	vld [tilespmem:s11+$0xA60]  }
0x179: {  	[tilespmem:s2+$0x1050] =	vst.add.f32.msk $0xffff, v3  }
0x17a: {  	v3 =	vld [tilespmem:s15+$0x1260]  }
0x17b: {  	[tilespmem:s16+$0x60] =	vst.add.f32.msk $0xffff, v4  }
0x17c: {  	v4 =	vld [tilespmem:s17+$0x270]  }
0x17d: {  	[tilespmem:s0+$0x860] =	vst.add.f32.msk $0xffff, v5  }
0x17e: {  	v5 =	vld [tilespmem:s11+$0xA70]  }
0x17f: {  	[tilespmem:s2+$0x1060] =	vst.add.f32.msk $0xffff, v3  }
0x180: {  	v3 =	vld [tilespmem:s15+$0x1270]  }
0x181: {  	[tilespmem:s16+$0x70] =	vst.add.f32.msk $0xffff, v4  }
0x182: {  	v4 =	vld [tilespmem:s17+$0x600]  }
0x183: {  	[tilespmem:s0+$0x870] =	vst.add.f32.msk $0xffff, v5  }
0x184: {  	v5 =	vld [tilespmem:s11+$0xE00]  }
0x185: {  	[tilespmem:s2+$0x1070] =	vst.add.f32.msk $0xffff, v3  }
0x186: {  	v3 =	vld [tilespmem:s15+$0x1600]  }
0x187: {  	[tilespmem:s16+$0x400] =	vst.add.f32.msk $0xffff, v4  }
0x188: {  	v4 =	vld [tilespmem:s17+$0x610]  }
0x189: {  	[tilespmem:s0+$0xC00] =	vst.add.f32.msk $0xffff, v5  }
0x18a: {  	v5 =	vld [tilespmem:s11+$0xE10]  }
0x18b: {  	[tilespmem:s2+$0x1400] =	vst.add.f32.msk $0xffff, v3  }
0x18c: {  	v3 =	vld [tilespmem:s15+$0x1610]  }
0x18d: {  	[tilespmem:s16+$0x410] =	vst.add.f32.msk $0xffff, v4  }
0x18e: {  	v4 =	vld [tilespmem:s17+$0x620]  }
0x18f: {  	[tilespmem:s0+$0xC10] =	vst.add.f32.msk $0xffff, v5  }
0x190: {  	v5 =	vld [tilespmem:s11+$0xE20]  }
0x191: {  	[tilespmem:s2+$0x1410] =	vst.add.f32.msk $0xffff, v3  }
0x192: {  	v3 =	vld [tilespmem:s15+$0x1620]  }
0x193: {  	[tilespmem:s16+$0x420] =	vst.add.f32.msk $0xffff, v4  }
0x194: {  	v4 =	vld [tilespmem:s17+$0x630]  }
0x195: {  	[tilespmem:s0+$0xC20] =	vst.add.f32.msk $0xffff, v5  }
0x196: {  	v5 =	vld [tilespmem:s11+$0xE30]  }
0x197: {  	[tilespmem:s2+$0x1420] =	vst.add.f32.msk $0xffff, v3  }
0x198: {  	v3 =	vld [tilespmem:s15+$0x1630]  }
0x199: {  	[tilespmem:s16+$0x430] =	vst.add.f32.msk $0xffff, v4  }
0x19a: {  	v4 =	vld [tilespmem:s17+$0x640]  }
0x19b: {  	[tilespmem:s0+$0xC30] =	vst.add.f32.msk $0xffff, v5  }
0x19c: {  	v5 =	vld [tilespmem:s11+$0xE40]  }
0x19d: {  	[tilespmem:s2+$0x1430] =	vst.add.f32.msk $0xffff, v3  }
0x19e: {  	v3 =	vld [tilespmem:s15+$0x1640]  }
0x19f: {  	[tilespmem:s16+$0x440] =	vst.add.f32.msk $0xffff, v4  }
0x1a0: {  	v4 =	vld [tilespmem:s17+$0x650]  }
0x1a1: {  	[tilespmem:s0+$0xC40] =	vst.add.f32.msk $0xffff, v5  }
0x1a2: {  	v5 =	vld [tilespmem:s11+$0xE50]  }
0x1a3: {  	[tilespmem:s2+$0x1440] =	vst.add.f32.msk $0xffff, v3  }
0x1a4: {  	v3 =	vld [tilespmem:s15+$0x1650]  }
0x1a5: {  	[tilespmem:s16+$0x450] =	vst.add.f32.msk $0xffff, v4  }
0x1a6: {  	v4 =	vld [tilespmem:s17+$0x660]  }
0x1a7: {  	[tilespmem:s0+$0xC50] =	vst.add.f32.msk $0xffff, v5  }
0x1a8: {  	v6 =	vld [tilespmem:s11+$0xE60]  }
0x1a9: {  	[tilespmem:s2+$0x1450] =	vst.add.f32.msk $0xffff, v3  }
0x1aa: {  	v3 =	vld [tilespmem:s15+$0x1660]  }
0x1ab: {  	s6 =	sadd.s32 s13, s18;
	[tilespmem:s16+$0x460] =	vst.add.f32.msk $0xffff, v4  }
.Ltmp0:
0x1ac: {  	s6 =	sshrl.u32 s6, $0x3;
	v5 =	vld [tilespmem:s17+$0x670];
	(pc) =	sbr.rel @p0 .LBB2_3-.Ltmp0, $4  }
0x1ad: {  	s6 =	smul.u32 $0x6000, s6;
	[tilespmem:s0+$0xC60] =	vst.add.f32.msk $0xffff, v6  }
0x1ae: {  	s12 =	sadd.s32 $0x80, s12;
	v4 =	vld [tilespmem:s11+$0xE70]  }
0x1af: {  	s20 =	sand.u32 $0x380, s12;
	s6 =	sshra.s32 s6, $0x2;
	[tilespmem:s2+$0x1460] =	vst.add.f32.msk $0xffff, v3  }
0x1b0: {  	s13 =	sadd.s32 $0x1, s13;
	s6 =	sor.u32 s20, s6;
	v3 =	vld [tilespmem:s15+$0x1670];
	s15 =	smov.u32 s11  }
0x1b1: {  	s11 =	sshrl.u32 s14, $0x3  }
0x1b2: {  	v6 =	vld [tilespmem:s6+$0x200];
	s11 =	smul.u32 $0x6000, s11;
	_ =	sdelay $0x1  }
0x1b3: {  	s11 =	sshra.s32 s11, $0x2  }
0x1b4: {  	s11 =	sadd.s32 s11, s31  }
0x1b5: {  	s11 =	sadd.s32 s20, s11  }
0x1b6: {  	[tilespmem:s11+$0x0] =	vst.add.f32.msk $0xffff, v6  }
0x1b7: {  	v6 =	vld [tilespmem:s6+$0x210];
	_ =	sdelay $0x4  }
0x1b8: {  	[tilespmem:s11+$0x10] =	vst.add.f32.msk $0xffff, v6  }
0x1b9: {  	v6 =	vld [tilespmem:s6+$0x220];
	_ =	sdelay $0x4  }
0x1ba: {  	[tilespmem:s11+$0x20] =	vst.add.f32.msk $0xffff, v6  }
0x1bb: {  	v6 =	vld [tilespmem:s6+$0x230];
	_ =	sdelay $0x4  }
0x1bc: {  	[tilespmem:s11+$0x30] =	vst.add.f32.msk $0xffff, v6  }
0x1bd: {  	v6 =	vld [tilespmem:s6+$0x240];
	_ =	sdelay $0x4  }
0x1be: {  	[tilespmem:s11+$0x40] =	vst.add.f32.msk $0xffff, v6  }
0x1bf: {  	v6 =	vld [tilespmem:s6+$0x250];
	_ =	sdelay $0x4  }
0x1c0: {  	[tilespmem:s11+$0x50] =	vst.add.f32.msk $0xffff, v6  }
0x1c1: {  	v6 =	vld [tilespmem:s6+$0x260];
	_ =	sdelay $0x4  }
0x1c2: {  	[tilespmem:s11+$0x60] =	vst.add.f32.msk $0xffff, v6  }
0x1c3: {  	v6 =	vld [tilespmem:s6+$0x270];
	_ =	sdelay $0x4  }
0x1c4: {  	[tilespmem:s11+$0x70] =	vst.add.f32.msk $0xffff, v6  }
0x1c5: {  	v6 =	vld [tilespmem:s6+$0x600];
	_ =	sdelay $0x4  }
0x1c6: {  	[tilespmem:s11+$0x400] =	vst.add.f32.msk $0xffff, v6  }
0x1c7: {  	v6 =	vld [tilespmem:s6+$0x610];
	_ =	sdelay $0x4  }
0x1c8: {  	[tilespmem:s11+$0x410] =	vst.add.f32.msk $0xffff, v6  }
0x1c9: {  	v6 =	vld [tilespmem:s6+$0x620];
	_ =	sdelay $0x4  }
0x1ca: {  	[tilespmem:s11+$0x420] =	vst.add.f32.msk $0xffff, v6  }
0x1cb: {  	v6 =	vld [tilespmem:s6+$0x630];
	_ =	sdelay $0x4  }
0x1cc: {  	[tilespmem:s11+$0x430] =	vst.add.f32.msk $0xffff, v6  }
0x1cd: {  	v6 =	vld [tilespmem:s6+$0x640];
	_ =	sdelay $0x4  }
0x1ce: {  	[tilespmem:s11+$0x440] =	vst.add.f32.msk $0xffff, v6  }
0x1cf: {  	v6 =	vld [tilespmem:s6+$0x650];
	_ =	sdelay $0x4  }
0x1d0: {  	[tilespmem:s11+$0x450] =	vst.add.f32.msk $0xffff, v6  }
0x1d1: {  	v6 =	vld [tilespmem:s6+$0x660];
	_ =	sdelay $0x4  }
0x1d2: {  	[tilespmem:s11+$0x460] =	vst.add.f32.msk $0xffff, v6  }
0x1d3: {  	v6 =	vld [tilespmem:s6+$0x670];
	_ =	sdelay $0x2  }
0x1d4: {  	[tilespmem:s16+$0x470] =	vst.add.f32.msk $0xffff, v5  }
0x1d5: {  	v5 =	vld [tilespmem:s17+$0xA00]  }
0x1d6: {  	[tilespmem:s11+$0x470] =	vst.add.f32.msk $0xffff, v6  }
0x1d7: {  	v6 =	vld [tilespmem:s6+$0xA00];
	_ =	sdelay $0x2  }
0x1d8: {  	[tilespmem:s16+$0x800] =	vst.add.f32.msk $0xffff, v5  }
0x1d9: {  	v5 =	vld [tilespmem:s17+$0xA10]  }
0x1da: {  	[tilespmem:s11+$0x800] =	vst.add.f32.msk $0xffff, v6  }
0x1db: {  	v6 =	vld [tilespmem:s6+$0xA10];
	_ =	sdelay $0x2  }
0x1dc: {  	[tilespmem:s16+$0x810] =	vst.add.f32.msk $0xffff, v5  }
0x1dd: {  	v5 =	vld [tilespmem:s17+$0xA20]  }
0x1de: {  	[tilespmem:s11+$0x810] =	vst.add.f32.msk $0xffff, v6  }
0x1df: {  	v6 =	vld [tilespmem:s6+$0xA20];
	_ =	sdelay $0x2  }
0x1e0: {  	[tilespmem:s16+$0x820] =	vst.add.f32.msk $0xffff, v5  }
0x1e1: {  	v5 =	vld [tilespmem:s17+$0xA30]  }
0x1e2: {  	[tilespmem:s11+$0x820] =	vst.add.f32.msk $0xffff, v6  }
0x1e3: {  	v6 =	vld [tilespmem:s6+$0xA30];
	_ =	sdelay $0x2  }
0x1e4: {  	[tilespmem:s16+$0x830] =	vst.add.f32.msk $0xffff, v5  }
0x1e5: {  	v5 =	vld [tilespmem:s17+$0xA40]  }
0x1e6: {  	[tilespmem:s11+$0x830] =	vst.add.f32.msk $0xffff, v6  }
0x1e7: {  	v6 =	vld [tilespmem:s6+$0xA40];
	_ =	sdelay $0x2  }
0x1e8: {  	[tilespmem:s16+$0x840] =	vst.add.f32.msk $0xffff, v5  }
0x1e9: {  	v5 =	vld [tilespmem:s17+$0xA50]  }
0x1ea: {  	[tilespmem:s11+$0x840] =	vst.add.f32.msk $0xffff, v6  }
0x1eb: {  	v6 =	vld [tilespmem:s6+$0xA50];
	_ =	sdelay $0x2  }
0x1ec: {  	[tilespmem:s16+$0x850] =	vst.add.f32.msk $0xffff, v5  }
0x1ed: {  	v5 =	vld [tilespmem:s17+$0xA60]  }
0x1ee: {  	[tilespmem:s11+$0x850] =	vst.add.f32.msk $0xffff, v6  }
0x1ef: {  	v6 =	vld [tilespmem:s6+$0xA60];
	_ =	sdelay $0x2  }
0x1f0: {  	[tilespmem:s16+$0x860] =	vst.add.f32.msk $0xffff, v5  }
0x1f1: {  	v5 =	vld [tilespmem:s17+$0xA70]  }
0x1f2: {  	[tilespmem:s11+$0x860] =	vst.add.f32.msk $0xffff, v6  }
0x1f3: {  	v6 =	vld [tilespmem:s6+$0xA70];
	_ =	sdelay $0x2  }
0x1f4: {  	[tilespmem:s16+$0x870] =	vst.add.f32.msk $0xffff, v5  }
0x1f5: {  	v5 =	vld [tilespmem:s17+$0xE00]  }
0x1f6: {  	[tilespmem:s11+$0x870] =	vst.add.f32.msk $0xffff, v6  }
0x1f7: {  	v6 =	vld [tilespmem:s6+$0xE00];
	_ =	sdelay $0x2  }
0x1f8: {  	[tilespmem:s16+$0xC00] =	vst.add.f32.msk $0xffff, v5  }
0x1f9: {  	v5 =	vld [tilespmem:s17+$0xE10]  }
0x1fa: {  	[tilespmem:s11+$0xC00] =	vst.add.f32.msk $0xffff, v6  }
0x1fb: {  	v6 =	vld [tilespmem:s6+$0xE10];
	_ =	sdelay $0x2  }
0x1fc: {  	[tilespmem:s16+$0xC10] =	vst.add.f32.msk $0xffff, v5  }
0x1fd: {  	v5 =	vld [tilespmem:s17+$0xE20]  }
0x1fe: {  	[tilespmem:s11+$0xC10] =	vst.add.f32.msk $0xffff, v6  }
0x1ff: {  	v6 =	vld [tilespmem:s6+$0xE20];
	_ =	sdelay $0x2  }
0x200: {  	[tilespmem:s16+$0xC20] =	vst.add.f32.msk $0xffff, v5  }
0x201: {  	v5 =	vld [tilespmem:s17+$0xE30]  }
0x202: {  	[tilespmem:s11+$0xC20] =	vst.add.f32.msk $0xffff, v6  }
0x203: {  	v6 =	vld [tilespmem:s6+$0xE30];
	_ =	sdelay $0x2  }
0x204: {  	[tilespmem:s16+$0xC30] =	vst.add.f32.msk $0xffff, v5  }
0x205: {  	v5 =	vld [tilespmem:s17+$0xE40]  }
0x206: {  	[tilespmem:s11+$0xC30] =	vst.add.f32.msk $0xffff, v6  }
0x207: {  	v6 =	vld [tilespmem:s6+$0xE40];
	_ =	sdelay $0x2  }
0x208: {  	[tilespmem:s16+$0xC40] =	vst.add.f32.msk $0xffff, v5  }
0x209: {  	v5 =	vld [tilespmem:s17+$0xE50]  }
0x20a: {  	[tilespmem:s11+$0xC40] =	vst.add.f32.msk $0xffff, v6  }
0x20b: {  	v6 =	vld [tilespmem:s6+$0xE50];
	_ =	sdelay $0x2  }
0x20c: {  	[tilespmem:s16+$0xC50] =	vst.add.f32.msk $0xffff, v5  }
0x20d: {  	v5 =	vld [tilespmem:s17+$0xE60]  }
0x20e: {  	[tilespmem:s11+$0xC50] =	vst.add.f32.msk $0xffff, v6  }
0x20f: {  	v6 =	vld [tilespmem:s6+$0xE60];
	_ =	sdelay $0x2  }
0x210: {  	[tilespmem:s16+$0xC60] =	vst.add.f32.msk $0xffff, v5  }
0x211: {  	v5 =	vld [tilespmem:s17+$0xE70]  }
0x212: {  	[tilespmem:s11+$0xC60] =	vst.add.f32.msk $0xffff, v6  }
0x213: {  	v6 =	vld [tilespmem:s6+$0xE70]  }
0x214: {  	[tilespmem:s0+$0xC70] =	vst.add.f32.msk $0xffff, v4  }
0x215: {  	v4 =	vld [tilespmem:s15+$0x1200]  }
0x216: {  	[tilespmem:s16+$0xC70] =	vst.add.f32.msk $0xffff, v5  }
0x217: {  	v5 =	vld [tilespmem:s17+$0x1200]  }
0x218: {  	[tilespmem:s11+$0xC70] =	vst.add.f32.msk $0xffff, v6  }
0x219: {  	v6 =	vld [tilespmem:s6+$0x1200]  }
0x21a: {  	[tilespmem:s0+$0x1000] =	vst.add.f32.msk $0xffff, v4  }
0x21b: {  	v4 =	vld [tilespmem:s15+$0x1210]  }
0x21c: {  	[tilespmem:s16+$0x1000] =	vst.add.f32.msk $0xffff, v5  }
0x21d: {  	v5 =	vld [tilespmem:s17+$0x1210]  }
0x21e: {  	[tilespmem:s11+$0x1000] =	vst.add.f32.msk $0xffff, v6  }
0x21f: {  	v6 =	vld [tilespmem:s6+$0x1210]  }
0x220: {  	[tilespmem:s0+$0x1010] =	vst.add.f32.msk $0xffff, v4  }
0x221: {  	v4 =	vld [tilespmem:s15+$0x1220]  }
0x222: {  	[tilespmem:s16+$0x1010] =	vst.add.f32.msk $0xffff, v5  }
0x223: {  	v5 =	vld [tilespmem:s17+$0x1220]  }
0x224: {  	[tilespmem:s11+$0x1010] =	vst.add.f32.msk $0xffff, v6  }
0x225: {  	v6 =	vld [tilespmem:s6+$0x1220]  }
0x226: {  	[tilespmem:s0+$0x1020] =	vst.add.f32.msk $0xffff, v4  }
0x227: {  	v4 =	vld [tilespmem:s15+$0x1230]  }
0x228: {  	[tilespmem:s16+$0x1020] =	vst.add.f32.msk $0xffff, v5  }
0x229: {  	v5 =	vld [tilespmem:s17+$0x1230]  }
0x22a: {  	[tilespmem:s11+$0x1020] =	vst.add.f32.msk $0xffff, v6  }
0x22b: {  	v6 =	vld [tilespmem:s6+$0x1230]  }
0x22c: {  	[tilespmem:s0+$0x1030] =	vst.add.f32.msk $0xffff, v4  }
0x22d: {  	v4 =	vld [tilespmem:s15+$0x1240]  }
0x22e: {  	[tilespmem:s16+$0x1030] =	vst.add.f32.msk $0xffff, v5  }
0x22f: {  	v5 =	vld [tilespmem:s17+$0x1240]  }
0x230: {  	[tilespmem:s11+$0x1030] =	vst.add.f32.msk $0xffff, v6  }
0x231: {  	v6 =	vld [tilespmem:s6+$0x1240]  }
0x232: {  	[tilespmem:s0+$0x1040] =	vst.add.f32.msk $0xffff, v4  }
0x233: {  	v4 =	vld [tilespmem:s15+$0x1250]  }
0x234: {  	[tilespmem:s16+$0x1040] =	vst.add.f32.msk $0xffff, v5  }
0x235: {  	v5 =	vld [tilespmem:s17+$0x1250]  }
0x236: {  	[tilespmem:s11+$0x1040] =	vst.add.f32.msk $0xffff, v6  }
0x237: {  	v6 =	vld [tilespmem:s6+$0x1250]  }
0x238: {  	[tilespmem:s0+$0x1050] =	vst.add.f32.msk $0xffff, v4  }
0x239: {  	v4 =	vld [tilespmem:s15+$0x1260]  }
0x23a: {  	[tilespmem:s16+$0x1050] =	vst.add.f32.msk $0xffff, v5  }
0x23b: {  	v5 =	vld [tilespmem:s17+$0x1260]  }
0x23c: {  	[tilespmem:s11+$0x1050] =	vst.add.f32.msk $0xffff, v6  }
0x23d: {  	v6 =	vld [tilespmem:s6+$0x1260]  }
0x23e: {  	[tilespmem:s0+$0x1060] =	vst.add.f32.msk $0xffff, v4  }
0x23f: {  	v4 =	vld [tilespmem:s15+$0x1270]  }
0x240: {  	[tilespmem:s16+$0x1060] =	vst.add.f32.msk $0xffff, v5  }
0x241: {  	v5 =	vld [tilespmem:s17+$0x1270]  }
0x242: {  	[tilespmem:s11+$0x1060] =	vst.add.f32.msk $0xffff, v6  }
0x243: {  	v6 =	vld [tilespmem:s6+$0x1270]  }
0x244: {  	[tilespmem:s0+$0x1070] =	vst.add.f32.msk $0xffff, v4  }
0x245: {  	v4 =	vld [tilespmem:s15+$0x1600]  }
0x246: {  	[tilespmem:s16+$0x1070] =	vst.add.f32.msk $0xffff, v5  }
0x247: {  	v5 =	vld [tilespmem:s17+$0x1600]  }
0x248: {  	[tilespmem:s11+$0x1070] =	vst.add.f32.msk $0xffff, v6  }
0x249: {  	v6 =	vld [tilespmem:s6+$0x1600]  }
0x24a: {  	[tilespmem:s0+$0x1400] =	vst.add.f32.msk $0xffff, v4  }
0x24b: {  	v4 =	vld [tilespmem:s15+$0x1610]  }
0x24c: {  	[tilespmem:s16+$0x1400] =	vst.add.f32.msk $0xffff, v5  }
0x24d: {  	v5 =	vld [tilespmem:s17+$0x1610]  }
0x24e: {  	[tilespmem:s11+$0x1400] =	vst.add.f32.msk $0xffff, v6  }
0x24f: {  	v6 =	vld [tilespmem:s6+$0x1610]  }
0x250: {  	[tilespmem:s0+$0x1410] =	vst.add.f32.msk $0xffff, v4  }
0x251: {  	v4 =	vld [tilespmem:s15+$0x1620]  }
0x252: {  	[tilespmem:s16+$0x1410] =	vst.add.f32.msk $0xffff, v5  }
0x253: {  	v5 =	vld [tilespmem:s17+$0x1620]  }
0x254: {  	[tilespmem:s11+$0x1410] =	vst.add.f32.msk $0xffff, v6  }
0x255: {  	v6 =	vld [tilespmem:s6+$0x1620]  }
0x256: {  	[tilespmem:s0+$0x1420] =	vst.add.f32.msk $0xffff, v4  }
0x257: {  	v4 =	vld [tilespmem:s15+$0x1630]  }
0x258: {  	[tilespmem:s16+$0x1420] =	vst.add.f32.msk $0xffff, v5  }
0x259: {  	v5 =	vld [tilespmem:s17+$0x1630]  }
0x25a: {  	[tilespmem:s11+$0x1420] =	vst.add.f32.msk $0xffff, v6  }
0x25b: {  	v6 =	vld [tilespmem:s6+$0x1630]  }
0x25c: {  	[tilespmem:s0+$0x1430] =	vst.add.f32.msk $0xffff, v4  }
0x25d: {  	v4 =	vld [tilespmem:s15+$0x1640]  }
0x25e: {  	[tilespmem:s16+$0x1430] =	vst.add.f32.msk $0xffff, v5  }
0x25f: {  	v5 =	vld [tilespmem:s17+$0x1640]  }
0x260: {  	[tilespmem:s11+$0x1430] =	vst.add.f32.msk $0xffff, v6  }
0x261: {  	v6 =	vld [tilespmem:s6+$0x1640]  }
0x262: {  	[tilespmem:s0+$0x1440] =	vst.add.f32.msk $0xffff, v4  }
0x263: {  	v4 =	vld [tilespmem:s15+$0x1650]  }
0x264: {  	[tilespmem:s16+$0x1440] =	vst.add.f32.msk $0xffff, v5  }
0x265: {  	v5 =	vld [tilespmem:s17+$0x1650]  }
0x266: {  	[tilespmem:s11+$0x1440] =	vst.add.f32.msk $0xffff, v6  }
0x267: {  	v6 =	vld [tilespmem:s6+$0x1650]  }
0x268: {  	[tilespmem:s0+$0x1450] =	vst.add.f32.msk $0xffff, v4  }
0x269: {  	v4 =	vld [tilespmem:s15+$0x1660]  }
0x26a: {  	[tilespmem:s16+$0x1450] =	vst.add.f32.msk $0xffff, v5  }
0x26b: {  	v5 =	vld [tilespmem:s17+$0x1660]  }
0x26c: {  	[tilespmem:s11+$0x1450] =	vst.add.f32.msk $0xffff, v6  }
0x26d: {  	v6 =	vld [tilespmem:s6+$0x1660]  }
0x26e: {  	[tilespmem:s0+$0x1460] =	vst.add.f32.msk $0xffff, v4  }
0x26f: {  	v4 =	vld [tilespmem:s15+$0x1670]  }
0x270: {  	[tilespmem:s16+$0x1460] =	vst.add.f32.msk $0xffff, v5  }
0x271: {  	v5 =	vld [tilespmem:s17+$0x1670]  }
0x272: {  	s10 =	sor.u32 s4, s10;
	[tilespmem:s11+$0x1460] =	vst.add.f32.msk $0xffff, v6  }
0x273: {  	s18 =	smul.u32 $0x180000, s9;
	s29 =	sadd.s32 $0x1, s29;
	s20 =	sshrl.u32 s10, $0x3;
	v6 =	vld [tilespmem:s6+$0x1670]  }
0x274: {  	p0 =	sne.s32 s29, $0x10;
	s9 =	smul.u32 $0x1800, s20  }
.Ltmp1:
0x275: {  	[tilespmem:s2+$0x1470] =	vst.add.f32.msk $0xffff, v3;
	(pc) =	sbr.rel @p0 .LBB2_2-.Ltmp1, $4  }
0x276: {  	s21 =	sadd.s32 s18, s9;
	[tilespmem:s0+$0x1470] =	vst.add.f32.msk $0xffff, v4  }
0x277: {  	s0 =	sshrl.u32 s21, $0x3;
	[tilespmem:s16+$0x1470] =	vst.add.f32.msk $0xffff, v5  }
0x278: {  	s30 =	sadd.s32 $0x7, s30;
	s28 =	sadd.s32 $0x1, s28;
	s0 =	sadd.s32 s3, s0;
	[tilespmem:s11+$0x1470] =	vst.add.f32.msk $0xffff, v6  }
0x279: {  	[hbm4b:s0+s5] =	stream.linear.scatter [tilespmem:s31], [sflag:s30], $0x3000, $0x38;
	[tilespmem:$0x1E200] =	vst v63  }
0x27a: {  	s0 =	simm.s32 $0xB  }
0x27b: {  	_ =	swait.ge [sflag:s0], $0x3000  }
0x27c: {  	[sflag:s0] =	ssyncset.done $0x0  }
0x27d: {  	s30 =	simm.s32 $0xC;
	[sflag:s0] =	ssyncadd.s32 $0xFFFFD000  }
0x27e: {  	_ =	swait.ge [sflag:s30], $0x3000  }
0x27f: {  	[sflag:s30] =	ssyncset.done $0x0  }
0x280: {  	[sflag:s30] =	ssyncadd.s32 $0xFFFFD000  }
0x281: {  	_ =	swait.ge [sflag:s22], $0x3000  }
0x282: {  	[sflag:s22] =	ssyncset.done $0x0  }
0x283: {  	[sflag:s22] =	ssyncadd.s32 $0xFFFFD000  }
0x284: {  	_ =	swait.ge [sflag:s23], $0x3000  }
0x285: {  	[sflag:s23] =	ssyncset.done $0x0  }
0x286: {  	[sflag:s23] =	ssyncadd.s32 $0xFFFFD000  }
0x287: {  	_ =	swait.ge [sflag:s24], $0x3000  }
0x288: {  	[sflag:s24] =	ssyncset.done $0x0  }
0x289: {  	[sflag:s24] =	ssyncadd.s32 $0xFFFFD000  }
0x28a: {  	_ =	swait.ge [sflag:s25], $0x3000  }
0x28b: {  	s26 =	sadd.s32 $0x1, s26;
	s31 =	rddreg [dreg:$0xa]  }
0x28c: {  	p0 =	sne.s32 s26, s31  }
.Ltmp2:
0x28d: {  	_ = 	snop;
	(pc) =	sbr.rel @p0 .LBB2_1-.Ltmp2, $3  }
0x28e: {  	_ =	sdelay $0x1  }
0x28f: {  	[sflag:s25] =	ssyncset.done $0x0  }
0x290: {  	[sflag:s25] =	ssyncadd.s32 $0xFFFFD000  }
0x291: {  	_ =	sfence.sel $0x180000  }
0x292: {  	[bflag:$0x0] =	sbarrier.arrive $0xFFFF  }
0x293: {  	_ =	strace $0x90000047  }
0x294: {  	s0 =	stileid.u32;
	[bflag:$0x2] =	sbarrier.arrive $0xFFFF  }
0x295: {  	p0 =	sne.s32 s0, $0x0;
	s0 =	rddreg [dreg:$0x4]  }
0x296: {  	s0 =	sadd.s32 @!p0 $0x100000, s0  }
0x297: {  	[sflag:s0] =	ssyncadd.tile.s32 @!p0 $0x1;
	_ =	shalt  }
.Lfunc_end2:
_tile_overlayer_lowered:
.L_overlay_start_2:
0x298: {  	(tag) =	ssettag $0x2  }
0x299: {  	s0 =	rddreg [dreg:$0x0];
	s2 =	stileid.u32  }
0x29a: {  	s1 =	rddreg [dreg:$0x1];
	p0 =	sne.s32 s2, $0x0  }
0x29b: {  	s3 =	rddreg [dreg:$0x2];
	[bflag:$0x3] =	sbarrier.arrive $0xFFFF;
	s2 =	simm.s32 @!p0 $0x1C0E  }
0x29c: {  	[timem:s3], [sflag:s2] =	dma.local @!p0 [hbm:s0], s1  }
0x29d: {  	s0 =	simm.s32 @!p0 $0xE  }
0x29e: {  	_ =	swait.ge @!p0 [sflag:s0], s1  }
0x29f: {  	s1 =	ssub.s32 @!p0 $0x0, s1;
	[sflag:s0] =	ssyncset.done @!p0 $0x0  }
0x2a0: {  	[sflag:s0] =	ssyncadd.s32 @!p0 s1  }
0x2a1: {  	[bflag:$0x3] =	sbarrier.arrive $0xFFFF  }
0x2a2: {  	_ =	shalt  }

</sc_bundles>
